<compile_context>
chip_gen: v7x
topology: tpu7x:2x2x1
jax: 0.10.2.dev20260603
libtpu: 0.0.44.dev20260713+nightly
codegen_flags: <defaults>
</compile_context>

<pallas_src>
import functools

import jax
import jax.numpy as jnp
from jax import lax
from jax.experimental import pallas as pl
from jax.experimental.pallas import tpu as pltpu
from jax.experimental.pallas import tpu_sc as plsc

_VOCAB = 1000001
_H = 503808
_B = 16384
_L = 50
_D = 300
_C = 2 * _L
_CP = 128
_BM = 4096

_NC = 2
_NS = 16
_NW = _NC * _NS
_BPW = _B // _NW
_G = 128
_NG = _C * _BPW // _G
_K = 16


def _trunc16(d):
    u = jax.lax.bitcast_convert_type(d, jnp.uint32)
    return u & jnp.uint32(0xFFFF0000)


def _pack_half(d):
    d1 = jax.lax.slice(d, (0, 0), (_BM, 64))
    d2 = jax.lax.slice(d, (0, 64), (_BM, 128))
    return (_trunc16(d1) >> jnp.uint32(16)) | _trunc16(d2)


def _mm_body(tlo_ref, thi_ref, w_ref, o_ref):
    dn = (((0,), (0,)), ((), ()))
    f32 = jnp.float32
    bf = jnp.bfloat16
    d_lo = jax.lax.dot_general(tlo_ref[...].astype(bf), w_ref[...], dn,
                               preferred_element_type=f32)
    d_hi = jax.lax.dot_general(thi_ref[...].astype(bf), w_ref[...], dn,
                               preferred_element_type=f32)
    o_ref[...] = jnp.concatenate([_pack_half(d_lo), _pack_half(d_hi)],
                                 axis=1)


def _score_table(table_t, wcat):
    nb = _H // _BM
    return pl.pallas_call(
        _mm_body,
        grid=(nb,),
        in_specs=[
            pl.BlockSpec((_D, _BM), lambda i: (0, i)),
            pl.BlockSpec((_D, _BM),
                         lambda i: (0, jnp.minimum(i + _H // _BM,
                                                   (_VOCAB - 1) // _BM))),
            pl.BlockSpec((_D, _CP), lambda i: (0, 0)),
        ],
        out_specs=pl.BlockSpec((_BM, _CP), lambda i: (i, 0)),
        out_shape=jax.ShapeDtypeStruct((_H, _CP), jnp.uint32),
    )(table_t, table_t, wcat)


def _gather_reduce(q_flat, idx, bvec):
    mesh = plsc.VectorSubcoreMesh(core_axis_name="c", subcore_axis_name="s")

    @functools.partial(
        pl.kernel,
        mesh=mesh,
        out_type=jax.ShapeDtypeStruct((_B,), jnp.float32),
        scratch_types=[
            pltpu.VMEM((_NG, _G), jnp.int32),
            pltpu.VMEM((_NG * _G,), jnp.uint32),
            pltpu.VMEM((16,), jnp.float32),
            pltpu.VMEM((_BPW,), jnp.float32),
            pltpu.SemaphoreType.DMA,
        ],
    )
    def k(q_hbm, idx_hbm, b_hbm, out_hbm, idx_v, g_v, b_v, out_v, sem):
        wid = lax.axis_index("s") * _NC + lax.axis_index("c")
        pltpu.sync_copy(idx_hbm.at[wid], idx_v)
        pltpu.sync_copy(b_hbm, b_v)

        def fire_group(gi, carry):
            cps = []
            for j in range(_K):
                row = gi * _K + j
                cps.append(pltpu.async_copy(
                    q_hbm.at[idx_v.at[row]],
                    g_v.at[pl.ds(row * _G, _G)],
                    sem,
                ))
            for cp in cps:
                cp.wait()
            return carry

        lax.fori_loop(0, _NG // _K, fire_group, 0)

        def col(c, carry):
            def red_lo(l, acc):
                g = g_v[pl.ds(l * _BPW + c * 16, 16)]
                return acc + jax.lax.bitcast_convert_type(
                    g << jnp.uint32(16), jnp.float32)

            def red_hi(l, acc):
                g = g_v[pl.ds(l * _BPW + c * 16, 16)]
                return acc + jax.lax.bitcast_convert_type(
                    g & jnp.uint32(0xFFFF0000), jnp.float32)

            acc = lax.fori_loop(0, _L, red_lo, b_v[...])
            acc = lax.fori_loop(_L, _C, red_hi, acc)
            out_v[pl.ds(c * 16, 16)] = 1.0 / (1.0 + jnp.exp(-acc))
            return carry

        lax.fori_loop(0, _BPW // 16, col, 0)
        pltpu.sync_copy(out_v, out_hbm.at[pl.ds(wid * _BPW, _BPW)])

    return k(q_flat, idx, bvec)


def kernel(input1, input2, table, W, b):
    wt = W.reshape(_C, _D).T.astype(jnp.float32)
    w1 = jnp.pad(wt[:, :_L], ((0, 0), (0, 64 - _L)))
    w2 = jnp.pad(wt[:, _L:], ((0, 0), (0, 64 - _L)))
    wcat = jnp.concatenate([w1, w2], axis=1).astype(jnp.bfloat16)
    table_t = table.astype(jnp.float32).T
    Q = _score_table(table_t, wcat)

    pos = jnp.arange(_L, dtype=jnp.int32)
    base1 = jnp.where(input1 < _H, input1 * _CP, (input1 - _H) * _CP + 64)
    base2 = jnp.where(input2 < _H, input2 * _CP, (input2 - _H) * _CP + 64)
    idx1 = base1 + pos[None, :]
    idx2 = base2 + pos[None, :]
    idx_all = jnp.concatenate([idx1, idx2], axis=1)
    idx_r = (idx_all.reshape(_NW, _BPW, _C)
             .transpose(0, 2, 1)
             .reshape(_NW, _NG, _G))

    bvec = jnp.broadcast_to(b.astype(jnp.float32), (16,))
    out = _gather_reduce(Q.reshape(-1), idx_r, bvec)
    return out.reshape(_B, 1)

# --- scband reference (transcript-rebuilt; emitter-appended) ---
"""Pipeline reference for scband-siamese-network-18021682774421 (READ-ONLY COPY).

The authoritative reference and input builder live on the scoring server;
editing this copy changes nothing except your own understanding.
"""

import jax, jax.numpy as jnp
import numpy as np

VOCAB = 1000001
B = 16384
L = 50
D = 300


def setup_inputs(seed: int = 0) -> dict:
    key = jax.random.key(seed)
    k1, k2, k3, k4 = jax.random.split(key, 4)
    input1 = jax.random.randint(k1, (B, L), 0, VOCAB, dtype=jnp.int32)
    input2 = jax.random.randint(k2, (B, L), 0, VOCAB, dtype=jnp.int32)
    # pretrained embedding table (padding_idx=0 -> row 0 is zeros)
    table = jax.random.normal(k3, (VOCAB, D), dtype=jnp.float32) * 0.02
    table = table.at[0].set(0.0)
    # fc: Linear(30000, 1)
    W = jax.random.normal(k4, (2 * L * D, 1), dtype=jnp.float32) * (1.0 / np.sqrt(2 * L * D))
    b = jnp.zeros((1,), dtype=jnp.float32)
    return {"input1": input1, "input2": input2, "table": table, "W": W, "b": b}


def reference(input1, input2, table, W, b):
    # embedding lookups (gather)
    e1 = jnp.take(table, input1, axis=0)  # [B, L, D]
    e2 = jnp.take(table, input2, axis=0)  # [B, L, D]
    e1 = e1.reshape(e1.shape[0], -1)      # [B, L*D]
    e2 = e2.reshape(e2.shape[0], -1)      # [B, L*D]
    cat = jnp.concatenate((e1, e2), axis=1).astype(jnp.float32)  # [B, 2*L*D]
    out = cat @ W + b                     # [B, 1]
    return jax.nn.sigmoid(out)

if __name__ == "__main__":
    import jax
    _d = setup_inputs()
    print(jax.jit(kernel)(*tuple(_d.values())))

</pallas_src>

<mosaic_0001>
#map = affine_map<(d0, d1) -> (0)>
#map1 = affine_map<(d0, d1) -> (0, 0, 0)>
module attributes {stable_mosaic.version = 14 : i64} {
  func.func @k(%arg0: i32, %arg1: i32, %arg2: memref<64487424xi32, #tpu.memory_space<hbm>>, %arg3: memref<32x400x128xi32, #tpu.memory_space<hbm>>, %arg4: memref<16xf32, #tpu.memory_space<hbm>>, %arg5: memref<16384xf32, #tpu.memory_space<hbm>>, %arg6: memref<400x128xi32, #tpu.memory_space<vmem>>, %arg7: memref<51200xi32, #tpu.memory_space<vmem>>, %arg8: memref<16xf32, #tpu.memory_space<vmem>>, %arg9: memref<512xf32, #tpu.memory_space<vmem>>, %arg10: memref<!tpu.dma_semaphore, #tpu.memory_space<semaphore_mem>>) attributes {dimension_semantics = [#tpu.dimension_semantics<core_parallel>, #tpu.dimension_semantics<subcore_parallel>], iteration_bounds = array<i64: 2, 16>, scalar_prefetch = 0 : i64, scratch_operands = 5 : i64, tpu.core_type = #tpu.core_type<sc_vector_subcore>, window_params = [{transform_indices = #map}, {transform_indices = #map1}, {transform_indices = #map}, {transform_indices = #map}]} {
    %mul3A = arith.constant 2 : i32
    %mul3A_0 = arith.muli %arg1, %mul3A : i32
    %add3A = arith.addi %mul3A_0, %arg0 : i32
    "tpu.region"() ({
      %run_scoped3A = tpu.sem_alloc : memref<!tpu.dma_semaphore, #tpu.memory_space<semaphore_mem>>
      %dma_start3A = arith.constant 0 : i32
      %dma_start3A_14 = arith.constant 0 : i32
      %dma_start3A_15 = tpu.memref_slice %arg3[%add3A, %dma_start3A, %dma_start3A_14] : memref<32x400x128xi32, #tpu.memory_space<hbm>> -> memref<1x400x128xi32, #tpu.memory_space<hbm>>
      %dma_start3A_16 = tpu.memref_squeeze %dma_start3A_15 : memref<1x400x128xi32, #tpu.memory_space<hbm>> -> memref<400x128xi32, #tpu.memory_space<hbm>>
      %dma_start3A_17 = arith.constant 0 : i32
      %dma_start3A_18 = arith.constant 0 : i32
      %dma_start3A_19 = tpu.memref_slice %arg3[%add3A, %dma_start3A_17, %dma_start3A_18] : memref<32x400x128xi32, #tpu.memory_space<hbm>> -> memref<1x400x128xi32, #tpu.memory_space<hbm>>
      %dma_start3A_20 = tpu.memref_squeeze %dma_start3A_19 : memref<1x400x128xi32, #tpu.memory_space<hbm>> -> memref<400x128xi32, #tpu.memory_space<hbm>>
      tpu.enqueue_dma source(%dma_start3A_20 : memref<400x128xi32, #tpu.memory_space<hbm>>) target(%arg6 : memref<400x128xi32, #tpu.memory_space<vmem>>) target_semaphore(%run_scoped3A : memref<!tpu.dma_semaphore, #tpu.memory_space<semaphore_mem>>)
      %dma_wait3A = arith.constant 0 : i32
      %dma_wait3A_21 = arith.constant 0 : i32
      %dma_wait3A_22 = tpu.memref_slice %arg3[%add3A, %dma_wait3A, %dma_wait3A_21] : memref<32x400x128xi32, #tpu.memory_space<hbm>> -> memref<1x400x128xi32, #tpu.memory_space<hbm>>
      %dma_wait3A_23 = tpu.memref_squeeze %dma_wait3A_22 : memref<1x400x128xi32, #tpu.memory_space<hbm>> -> memref<400x128xi32, #tpu.memory_space<hbm>>
      %dma_wait3A_24 = arith.constant 0 : i32
      %dma_wait3A_25 = arith.constant 0 : i32
      %dma_wait3A_26 = tpu.memref_slice %arg3[%add3A, %dma_wait3A_24, %dma_wait3A_25] : memref<32x400x128xi32, #tpu.memory_space<hbm>> -> memref<1x400x128xi32, #tpu.memory_space<hbm>>
      %dma_wait3A_27 = tpu.memref_squeeze %dma_wait3A_26 : memref<1x400x128xi32, #tpu.memory_space<hbm>> -> memref<400x128xi32, #tpu.memory_space<hbm>>
      tpu.wait_dma2 semaphore(%run_scoped3A : memref<!tpu.dma_semaphore, #tpu.memory_space<semaphore_mem>>) src(%dma_wait3A_27 : memref<400x128xi32, #tpu.memory_space<hbm>>) dst(%arg6 : memref<400x128xi32, #tpu.memory_space<vmem>>)
      tpu.yield
    }) : () -> ()
    "tpu.region"() ({
      %run_scoped3A = tpu.sem_alloc : memref<!tpu.dma_semaphore, #tpu.memory_space<semaphore_mem>>
      tpu.enqueue_dma source(%arg4 : memref<16xf32, #tpu.memory_space<hbm>>) target(%arg8 : memref<16xf32, #tpu.memory_space<vmem>>) target_semaphore(%run_scoped3A : memref<!tpu.dma_semaphore, #tpu.memory_space<semaphore_mem>>)
      tpu.wait_dma2 semaphore(%run_scoped3A : memref<!tpu.dma_semaphore, #tpu.memory_space<semaphore_mem>>) src(%arg4 : memref<16xf32, #tpu.memory_space<hbm>>) dst(%arg8 : memref<16xf32, #tpu.memory_space<vmem>>)
      tpu.yield
    }) : () -> ()
    %scan3A = arith.constant 0 : i32
    %scan3A_1 = arith.constant 0 : i32
    %scan3A_2 = arith.constant 25 : i32
    %scan3A_3 = arith.addi %scan3A_1, %scan3A_2 : i32
    %scan3A_4 = arith.constant 1 : i32
    scf.for %scan3A_14 = %scan3A_1 to %scan3A_3 step %scan3A_4  : i32 {
      %mul3A_15 = arith.constant 16 : i32
      %mul3A_16 = arith.muli %scan3A_14, %mul3A_15 : i32
      %add3A_17 = arith.constant 0 : i32
      %add3A_18 = arith.addi %mul3A_16, %add3A_17 : i32
      %mul3A_19 = arith.constant 128 : i32
      %mul3A_20 = arith.muli %add3A_18, %mul3A_19 : i32
      %dma_start3A = tpu.memref_slice %arg7[%mul3A_20] : memref<51200xi32, #tpu.memory_space<vmem>> -> memref<128xi32, #tpu.memory_space<vmem>>
      %dma_start3A_21 = arith.constant 0 : i32
      %dma_start3A_22 = tpu.memref_slice %arg6[%add3A_18, %dma_start3A_21] : memref<400x128xi32, #tpu.memory_space<vmem>> -> memref<1x128xi32, #tpu.memory_space<vmem>>
      %dma_start3A_23 = tpu.memref_squeeze %dma_start3A_22 : memref<1x128xi32, #tpu.memory_space<vmem>> -> memref<128xi32, #tpu.memory_space<vmem>>
      %dma_start3A_24 = arith.constant 0 : i32
      %dma_start3A_25 = tpu.memref_slice %arg2[%dma_start3A_24] : memref<64487424xi32, #tpu.memory_space<hbm>> -> memref<64487424xi32, #tpu.memory_space<hbm>>
      tpu.enqueue_indirect_dma source(%dma_start3A_25 : memref<64487424xi32, #tpu.memory_space<hbm>>) target(%dma_start3A : memref<128xi32, #tpu.memory_space<vmem>>) offsets(%dma_start3A_23 : memref<128xi32, #tpu.memory_space<vmem>>) semaphore(%arg10 : memref<!tpu.dma_semaphore, #tpu.memory_space<semaphore_mem>>)
      %mul3A_26 = arith.constant 16 : i32
      %mul3A_27 = arith.muli %scan3A_14, %mul3A_26 : i32
      %add3A_28 = arith.constant 1 : i32
      %add3A_29 = arith.addi %mul3A_27, %add3A_28 : i32
      %mul3A_30 = arith.constant 128 : i32
      %mul3A_31 = arith.muli %add3A_29, %mul3A_30 : i32
      %dma_start3A_32 = tpu.memref_slice %arg7[%mul3A_31] : memref<51200xi32, #tpu.memory_space<vmem>> -> memref<128xi32, #tpu.memory_space<vmem>>
      %dma_start3A_33 = arith.constant 0 : i32
      %dma_start3A_34 = tpu.memref_slice %arg6[%add3A_29, %dma_start3A_33] : memref<400x128xi32, #tpu.memory_space<vmem>> -> memref<1x128xi32, #tpu.memory_space<vmem>>
      %dma_start3A_35 = tpu.memref_squeeze %dma_start3A_34 : memref<1x128xi32, #tpu.memory_space<vmem>> -> memref<128xi32, #tpu.memory_space<vmem>>
      %dma_start3A_36 = arith.constant 0 : i32
      %dma_start3A_37 = tpu.memref_slice %arg2[%dma_start3A_36] : memref<64487424xi32, #tpu.memory_space<hbm>> -> memref<64487424xi32, #tpu.memory_space<hbm>>
      tpu.enqueue_indirect_dma source(%dma_start3A_37 : memref<64487424xi32, #tpu.memory_space<hbm>>) target(%dma_start3A_32 : memref<128xi32, #tpu.memory_space<vmem>>) offsets(%dma_start3A_35 : memref<128xi32, #tpu.memory_space<vmem>>) semaphore(%arg10 : memref<!tpu.dma_semaphore, #tpu.memory_space<semaphore_mem>>)
      %mul3A_38 = arith.constant 16 : i32
      %mul3A_39 = arith.muli %scan3A_14, %mul3A_38 : i32
      %add3A_40 = arith.constant 2 : i32
      %add3A_41 = arith.addi %mul3A_39, %add3A_40 : i32
      %mul3A_42 = arith.constant 128 : i32
      %mul3A_43 = arith.muli %add3A_41, %mul3A_42 : i32
      %dma_start3A_44 = tpu.memref_slice %arg7[%mul3A_43] : memref<51200xi32, #tpu.memory_space<vmem>> -> memref<128xi32, #tpu.memory_space<vmem>>
      %dma_start3A_45 = arith.constant 0 : i32
      %dma_start3A_46 = tpu.memref_slice %arg6[%add3A_41, %dma_start3A_45] : memref<400x128xi32, #tpu.memory_space<vmem>> -> memref<1x128xi32, #tpu.memory_space<vmem>>
      %dma_start3A_47 = tpu.memref_squeeze %dma_start3A_46 : memref<1x128xi32, #tpu.memory_space<vmem>> -> memref<128xi32, #tpu.memory_space<vmem>>
      %dma_start3A_48 = arith.constant 0 : i32
      %dma_start3A_49 = tpu.memref_slice %arg2[%dma_start3A_48] : memref<64487424xi32, #tpu.memory_space<hbm>> -> memref<64487424xi32, #tpu.memory_space<hbm>>
      tpu.enqueue_indirect_dma source(%dma_start3A_49 : memref<64487424xi32, #tpu.memory_space<hbm>>) target(%dma_start3A_44 : memref<128xi32, #tpu.memory_space<vmem>>) offsets(%dma_start3A_47 : memref<128xi32, #tpu.memory_space<vmem>>) semaphore(%arg10 : memref<!tpu.dma_semaphore, #tpu.memory_space<semaphore_mem>>)
      %mul3A_50 = arith.constant 16 : i32
      %mul3A_51 = arith.muli %scan3A_14, %mul3A_50 : i32
      %add3A_52 = arith.constant 3 : i32
      %add3A_53 = arith.addi %mul3A_51, %add3A_52 : i32
      %mul3A_54 = arith.constant 128 : i32
      %mul3A_55 = arith.muli %add3A_53, %mul3A_54 : i32
      %dma_start3A_56 = tpu.memref_slice %arg7[%mul3A_55] : memref<51200xi32, #tpu.memory_space<vmem>> -> memref<128xi32, #tpu.memory_space<vmem>>
      %dma_start3A_57 = arith.constant 0 : i32
      %dma_start3A_58 = tpu.memref_slice %arg6[%add3A_53, %dma_start3A_57] : memref<400x128xi32, #tpu.memory_space<vmem>> -> memref<1x128xi32, #tpu.memory_space<vmem>>
      %dma_start3A_59 = tpu.memref_squeeze %dma_start3A_58 : memref<1x128xi32, #tpu.memory_space<vmem>> -> memref<128xi32, #tpu.memory_space<vmem>>
      %dma_start3A_60 = arith.constant 0 : i32
      %dma_start3A_61 = tpu.memref_slice %arg2[%dma_start3A_60] : memref<64487424xi32, #tpu.memory_space<hbm>> -> memref<64487424xi32, #tpu.memory_space<hbm>>
      tpu.enqueue_indirect_dma source(%dma_start3A_61 : memref<64487424xi32, #tpu.memory_space<hbm>>) target(%dma_start3A_56 : memref<128xi32, #tpu.memory_space<vmem>>) offsets(%dma_start3A_59 : memref<128xi32, #tpu.memory_space<vmem>>) semaphore(%arg10 : memref<!tpu.dma_semaphore, #tpu.memory_space<semaphore_mem>>)
      %mul3A_62 = arith.constant 16 : i32
      %mul3A_63 = arith.muli %scan3A_14, %mul3A_62 : i32
      %add3A_64 = arith.constant 4 : i32
      %add3A_65 = arith.addi %mul3A_63, %add3A_64 : i32
      %mul3A_66 = arith.constant 128 : i32
      %mul3A_67 = arith.muli %add3A_65, %mul3A_66 : i32
      %dma_start3A_68 = tpu.memref_slice %arg7[%mul3A_67] : memref<51200xi32, #tpu.memory_space<vmem>> -> memref<128xi32, #tpu.memory_space<vmem>>
      %dma_start3A_69 = arith.constant 0 : i32
      %dma_start3A_70 = tpu.memref_slice %arg6[%add3A_65, %dma_start3A_69] : memref<400x128xi32, #tpu.memory_space<vmem>> -> memref<1x128xi32, #tpu.memory_space<vmem>>
      %dma_start3A_71 = tpu.memref_squeeze %dma_start3A_70 : memref<1x128xi32, #tpu.memory_space<vmem>> -> memref<128xi32, #tpu.memory_space<vmem>>
      %dma_start3A_72 = arith.constant 0 : i32
      %dma_start3A_73 = tpu.memref_slice %arg2[%dma_start3A_72] : memref<64487424xi32, #tpu.memory_space<hbm>> -> memref<64487424xi32, #tpu.memory_space<hbm>>
      tpu.enqueue_indirect_dma source(%dma_start3A_73 : memref<64487424xi32, #tpu.memory_space<hbm>>) target(%dma_start3A_68 : memref<128xi32, #tpu.memory_space<vmem>>) offsets(%dma_start3A_71 : memref<128xi32, #tpu.memory_space<vmem>>) semaphore(%arg10 : memref<!tpu.dma_semaphore, #tpu.memory_space<semaphore_mem>>)
      %mul3A_74 = arith.constant 16 : i32
      %mul3A_75 = arith.muli %scan3A_14, %mul3A_74 : i32
      %add3A_76 = arith.constant 5 : i32
      %add3A_77 = arith.addi %mul3A_75, %add3A_76 : i32
      %mul3A_78 = arith.constant 128 : i32
      %mul3A_79 = arith.muli %add3A_77, %mul3A_78 : i32
      %dma_start3A_80 = tpu.memref_slice %arg7[%mul3A_79] : memref<51200xi32, #tpu.memory_space<vmem>> -> memref<128xi32, #tpu.memory_space<vmem>>
      %dma_start3A_81 = arith.constant 0 : i32
      %dma_start3A_82 = tpu.memref_slice %arg6[%add3A_77, %dma_start3A_81] : memref<400x128xi32, #tpu.memory_space<vmem>> -> memref<1x128xi32, #tpu.memory_space<vmem>>
      %dma_start3A_83 = tpu.memref_squeeze %dma_start3A_82 : memref<1x128xi32, #tpu.memory_space<vmem>> -> memref<128xi32, #tpu.memory_space<vmem>>
      %dma_start3A_84 = arith.constant 0 : i32
      %dma_start3A_85 = tpu.memref_slice %arg2[%dma_start3A_84] : memref<64487424xi32, #tpu.memory_space<hbm>> -> memref<64487424xi32, #tpu.memory_space<hbm>>
      tpu.enqueue_indirect_dma source(%dma_start3A_85 : memref<64487424xi32, #tpu.memory_space<hbm>>) target(%dma_start3A_80 : memref<128xi32, #tpu.memory_space<vmem>>) offsets(%dma_start3A_83 : memref<128xi32, #tpu.memory_space<vmem>>) semaphore(%arg10 : memref<!tpu.dma_semaphore, #tpu.memory_space<semaphore_mem>>)
      %mul3A_86 = arith.constant 16 : i32
      %mul3A_87 = arith.muli %scan3A_14, %mul3A_86 : i32
      %add3A_88 = arith.constant 6 : i32
      %add3A_89 = arith.addi %mul3A_87, %add3A_88 : i32
      %mul3A_90 = arith.constant 128 : i32
      %mul3A_91 = arith.muli %add3A_89, %mul3A_90 : i32
      %dma_start3A_92 = tpu.memref_slice %arg7[%mul3A_91] : memref<51200xi32, #tpu.memory_space<vmem>> -> memref<128xi32, #tpu.memory_space<vmem>>
      %dma_start3A_93 = arith.constant 0 : i32
      %dma_start3A_94 = tpu.memref_slice %arg6[%add3A_89, %dma_start3A_93] : memref<400x128xi32, #tpu.memory_space<vmem>> -> memref<1x128xi32, #tpu.memory_space<vmem>>
      %dma_start3A_95 = tpu.memref_squeeze %dma_start3A_94 : memref<1x128xi32, #tpu.memory_space<vmem>> -> memref<128xi32, #tpu.memory_space<vmem>>
      %dma_start3A_96 = arith.constant 0 : i32
      %dma_start3A_97 = tpu.memref_slice %arg2[%dma_start3A_96] : memref<64487424xi32, #tpu.memory_space<hbm>> -> memref<64487424xi32, #tpu.memory_space<hbm>>
      tpu.enqueue_indirect_dma source(%dma_start3A_97 : memref<64487424xi32, #tpu.memory_space<hbm>>) target(%dma_start3A_92 : memref<128xi32, #tpu.memory_space<vmem>>) offsets(%dma_start3A_95 : memref<128xi32, #tpu.memory_space<vmem>>) semaphore(%arg10 : memref<!tpu.dma_semaphore, #tpu.memory_space<semaphore_mem>>)
      %mul3A_98 = arith.constant 16 : i32
      %mul3A_99 = arith.muli %scan3A_14, %mul3A_98 : i32
      %add3A_100 = arith.constant 7 : i32
      %add3A_101 = arith.addi %mul3A_99, %add3A_100 : i32
      %mul3A_102 = arith.constant 128 : i32
      %mul3A_103 = arith.muli %add3A_101, %mul3A_102 : i32
      %dma_start3A_104 = tpu.memref_slice %arg7[%mul3A_103] : memref<51200xi32, #tpu.memory_space<vmem>> -> memref<128xi32, #tpu.memory_space<vmem>>
      %dma_start3A_105 = arith.constant 0 : i32
      %dma_start3A_106 = tpu.memref_slice %arg6[%add3A_101, %dma_start3A_105] : memref<400x128xi32, #tpu.memory_space<vmem>> -> memref<1x128xi32, #tpu.memory_space<vmem>>
      %dma_start3A_107 = tpu.memref_squeeze %dma_start3A_106 : memref<1x128xi32, #tpu.memory_space<vmem>> -> memref<128xi32, #tpu.memory_space<vmem>>
      %dma_start3A_108 = arith.constant 0 : i32
      %dma_start3A_109 = tpu.memref_slice %arg2[%dma_start3A_108] : memref<64487424xi32, #tpu.memory_space<hbm>> -> memref<64487424xi32, #tpu.memory_space<hbm>>
      tpu.enqueue_indirect_dma source(%dma_start3A_109 : memref<64487424xi32, #tpu.memory_space<hbm>>) target(%dma_start3A_104 : memref<128xi32, #tpu.memory_space<vmem>>) offsets(%dma_start3A_107 : memref<128xi32, #tpu.memory_space<vmem>>) semaphore(%arg10 : memref<!tpu.dma_semaphore, #tpu.memory_space<semaphore_mem>>)
      %mul3A_110 = arith.constant 16 : i32
      %mul3A_111 = arith.muli %scan3A_14, %mul3A_110 : i32
      %add3A_112 = arith.constant 8 : i32
      %add3A_113 = arith.addi %mul3A_111, %add3A_112 : i32
      %mul3A_114 = arith.constant 128 : i32
      %mul3A_115 = arith.muli %add3A_113, %mul3A_114 : i32
      %dma_start3A_116 = tpu.memref_slice %arg7[%mul3A_115] : memref<51200xi32, #tpu.memory_space<vmem>> -> memref<128xi32, #tpu.memory_space<vmem>>
      %dma_start3A_117 = arith.constant 0 : i32
      %dma_start3A_118 = tpu.memref_slice %arg6[%add3A_113, %dma_start3A_117] : memref<400x128xi32, #tpu.memory_space<vmem>> -> memref<1x128xi32, #tpu.memory_space<vmem>>
      %dma_start3A_119 = tpu.memref_squeeze %dma_start3A_118 : memref<1x128xi32, #tpu.memory_space<vmem>> -> memref<128xi32, #tpu.memory_space<vmem>>
      %dma_start3A_120 = arith.constant 0 : i32
      %dma_start3A_121 = tpu.memref_slice %arg2[%dma_start3A_120] : memref<64487424xi32, #tpu.memory_space<hbm>> -> memref<64487424xi32, #tpu.memory_space<hbm>>
      tpu.enqueue_indirect_dma source(%dma_start3A_121 : memref<64487424xi32, #tpu.memory_space<hbm>>) target(%dma_start3A_116 : memref<128xi32, #tpu.memory_space<vmem>>) offsets(%dma_start3A_119 : memref<128xi32, #tpu.memory_space<vmem>>) semaphore(%arg10 : memref<!tpu.dma_semaphore, #tpu.memory_space<semaphore_mem>>)
      %mul3A_122 = arith.constant 16 : i32
      %mul3A_123 = arith.muli %scan3A_14, %mul3A_122 : i32
      %add3A_124 = arith.constant 9 : i32
      %add3A_125 = arith.addi %mul3A_123, %add3A_124 : i32
      %mul3A_126 = arith.constant 128 : i32
      %mul3A_127 = arith.muli %add3A_125, %mul3A_126 : i32
      %dma_start3A_128 = tpu.memref_slice %arg7[%mul3A_127] : memref<51200xi32, #tpu.memory_space<vmem>> -> memref<128xi32, #tpu.memory_space<vmem>>
      %dma_start3A_129 = arith.constant 0 : i32
      %dma_start3A_130 = tpu.memref_slice %arg6[%add3A_125, %dma_start3A_129] : memref<400x128xi32, #tpu.memory_space<vmem>> -> memref<1x128xi32, #tpu.memory_space<vmem>>
      %dma_start3A_131 = tpu.memref_squeeze %dma_start3A_130 : memref<1x128xi32, #tpu.memory_space<vmem>> -> memref<128xi32, #tpu.memory_space<vmem>>
      %dma_start3A_132 = arith.constant 0 : i32
      %dma_start3A_133 = tpu.memref_slice %arg2[%dma_start3A_132] : memref<64487424xi32, #tpu.memory_space<hbm>> -> memref<64487424xi32, #tpu.memory_space<hbm>>
      tpu.enqueue_indirect_dma source(%dma_start3A_133 : memref<64487424xi32, #tpu.memory_space<hbm>>) target(%dma_start3A_128 : memref<128xi32, #tpu.memory_space<vmem>>) offsets(%dma_start3A_131 : memref<128xi32, #tpu.memory_space<vmem>>) semaphore(%arg10 : memref<!tpu.dma_semaphore, #tpu.memory_space<semaphore_mem>>)
      %mul3A_134 = arith.constant 16 : i32
      %mul3A_135 = arith.muli %scan3A_14, %mul3A_134 : i32
      %add3A_136 = arith.constant 10 : i32
      %add3A_137 = arith.addi %mul3A_135, %add3A_136 : i32
      %mul3A_138 = arith.constant 128 : i32
      %mul3A_139 = arith.muli %add3A_137, %mul3A_138 : i32
      %dma_start3A_140 = tpu.memref_slice %arg7[%mul3A_139] : memref<51200xi32, #tpu.memory_space<vmem>> -> memref<128xi32, #tpu.memory_space<vmem>>
      %dma_start3A_141 = arith.constant 0 : i32
      %dma_start3A_142 = tpu.memref_slice %arg6[%add3A_137, %dma_start3A_141] : memref<400x128xi32, #tpu.memory_space<vmem>> -> memref<1x128xi32, #tpu.memory_space<vmem>>
      %dma_start3A_143 = tpu.memref_squeeze %dma_start3A_142 : memref<1x128xi32, #tpu.memory_space<vmem>> -> memref<128xi32, #tpu.memory_space<vmem>>
      %dma_start3A_144 = arith.constant 0 : i32
      %dma_start3A_145 = tpu.memref_slice %arg2[%dma_start3A_144] : memref<64487424xi32, #tpu.memory_space<hbm>> -> memref<64487424xi32, #tpu.memory_space<hbm>>
      tpu.enqueue_indirect_dma source(%dma_start3A_145 : memref<64487424xi32, #tpu.memory_space<hbm>>) target(%dma_start3A_140 : memref<128xi32, #tpu.memory_space<vmem>>) offsets(%dma_start3A_143 : memref<128xi32, #tpu.memory_space<vmem>>) semaphore(%arg10 : memref<!tpu.dma_semaphore, #tpu.memory_space<semaphore_mem>>)
      %mul3A_146 = arith.constant 16 : i32
      %mul3A_147 = arith.muli %scan3A_14, %mul3A_146 : i32
      %add3A_148 = arith.constant 11 : i32
      %add3A_149 = arith.addi %mul3A_147, %add3A_148 : i32
      %mul3A_150 = arith.constant 128 : i32
      %mul3A_151 = arith.muli %add3A_149, %mul3A_150 : i32
      %dma_start3A_152 = tpu.memref_slice %arg7[%mul3A_151] : memref<51200xi32, #tpu.memory_space<vmem>> -> memref<128xi32, #tpu.memory_space<vmem>>
      %dma_start3A_153 = arith.constant 0 : i32
      %dma_start3A_154 = tpu.memref_slice %arg6[%add3A_149, %dma_start3A_153] : memref<400x128xi32, #tpu.memory_space<vmem>> -> memref<1x128xi32, #tpu.memory_space<vmem>>
      %dma_start3A_155 = tpu.memref_squeeze %dma_start3A_154 : memref<1x128xi32, #tpu.memory_space<vmem>> -> memref<128xi32, #tpu.memory_space<vmem>>
      %dma_start3A_156 = arith.constant 0 : i32
      %dma_start3A_157 = tpu.memref_slice %arg2[%dma_start3A_156] : memref<64487424xi32, #tpu.memory_space<hbm>> -> memref<64487424xi32, #tpu.memory_space<hbm>>
      tpu.enqueue_indirect_dma source(%dma_start3A_157 : memref<64487424xi32, #tpu.memory_space<hbm>>) target(%dma_start3A_152 : memref<128xi32, #tpu.memory_space<vmem>>) offsets(%dma_start3A_155 : memref<128xi32, #tpu.memory_space<vmem>>) semaphore(%arg10 : memref<!tpu.dma_semaphore, #tpu.memory_space<semaphore_mem>>)
      %mul3A_158 = arith.constant 16 : i32
      %mul3A_159 = arith.muli %scan3A_14, %mul3A_158 : i32
      %add3A_160 = arith.constant 12 : i32
      %add3A_161 = arith.addi %mul3A_159, %add3A_160 : i32
      %mul3A_162 = arith.constant 128 : i32
      %mul3A_163 = arith.muli %add3A_161, %mul3A_162 : i32
      %dma_start3A_164 = tpu.memref_slice %arg7[%mul3A_163] : memref<51200xi32, #tpu.memory_space<vmem>> -> memref<128xi32, #tpu.memory_space<vmem>>
      %dma_start3A_165 = arith.constant 0 : i32
      %dma_start3A_166 = tpu.memref_slice %arg6[%add3A_161, %dma_start3A_165] : memref<400x128xi32, #tpu.memory_space<vmem>> -> memref<1x128xi32, #tpu.memory_space<vmem>>
      %dma_start3A_167 = tpu.memref_squeeze %dma_start3A_166 : memref<1x128xi32, #tpu.memory_space<vmem>> -> memref<128xi32, #tpu.memory_space<vmem>>
      %dma_start3A_168 = arith.constant 0 : i32
      %dma_start3A_169 = tpu.memref_slice %arg2[%dma_start3A_168] : memref<64487424xi32, #tpu.memory_space<hbm>> -> memref<64487424xi32, #tpu.memory_space<hbm>>
      tpu.enqueue_indirect_dma source(%dma_start3A_169 : memref<64487424xi32, #tpu.memory_space<hbm>>) target(%dma_start3A_164 : memref<128xi32, #tpu.memory_space<vmem>>) offsets(%dma_start3A_167 : memref<128xi32, #tpu.memory_space<vmem>>) semaphore(%arg10 : memref<!tpu.dma_semaphore, #tpu.memory_space<semaphore_mem>>)
      %mul3A_170 = arith.constant 16 : i32
      %mul3A_171 = arith.muli %scan3A_14, %mul3A_170 : i32
      %add3A_172 = arith.constant 13 : i32
      %add3A_173 = arith.addi %mul3A_171, %add3A_172 : i32
      %mul3A_174 = arith.constant 128 : i32
      %mul3A_175 = arith.muli %add3A_173, %mul3A_174 : i32
      %dma_start3A_176 = tpu.memref_slice %arg7[%mul3A_175] : memref<51200xi32, #tpu.memory_space<vmem>> -> memref<128xi32, #tpu.memory_space<vmem>>
      %dma_start3A_177 = arith.constant 0 : i32
      %dma_start3A_178 = tpu.memref_slice %arg6[%add3A_173, %dma_start3A_177] : memref<400x128xi32, #tpu.memory_space<vmem>> -> memref<1x128xi32, #tpu.memory_space<vmem>>
      %dma_start3A_179 = tpu.memref_squeeze %dma_start3A_178 : memref<1x128xi32, #tpu.memory_space<vmem>> -> memref<128xi32, #tpu.memory_space<vmem>>
      %dma_start3A_180 = arith.constant 0 : i32
      %dma_start3A_181 = tpu.memref_slice %arg2[%dma_start3A_180] : memref<64487424xi32, #tpu.memory_space<hbm>> -> memref<64487424xi32, #tpu.memory_space<hbm>>
      tpu.enqueue_indirect_dma source(%dma_start3A_181 : memref<64487424xi32, #tpu.memory_space<hbm>>) target(%dma_start3A_176 : memref<128xi32, #tpu.memory_space<vmem>>) offsets(%dma_start3A_179 : memref<128xi32, #tpu.memory_space<vmem>>) semaphore(%arg10 : memref<!tpu.dma_semaphore, #tpu.memory_space<semaphore_mem>>)
      %mul3A_182 = arith.constant 16 : i32
      %mul3A_183 = arith.muli %scan3A_14, %mul3A_182 : i32
      %add3A_184 = arith.constant 14 : i32
      %add3A_185 = arith.addi %mul3A_183, %add3A_184 : i32
      %mul3A_186 = arith.constant 128 : i32
      %mul3A_187 = arith.muli %add3A_185, %mul3A_186 : i32
      %dma_start3A_188 = tpu.memref_slice %arg7[%mul3A_187] : memref<51200xi32, #tpu.memory_space<vmem>> -> memref<128xi32, #tpu.memory_space<vmem>>
      %dma_start3A_189 = arith.constant 0 : i32
      %dma_start3A_190 = tpu.memref_slice %arg6[%add3A_185, %dma_start3A_189] : memref<400x128xi32, #tpu.memory_space<vmem>> -> memref<1x128xi32, #tpu.memory_space<vmem>>
      %dma_start3A_191 = tpu.memref_squeeze %dma_start3A_190 : memref<1x128xi32, #tpu.memory_space<vmem>> -> memref<128xi32, #tpu.memory_space<vmem>>
      %dma_start3A_192 = arith.constant 0 : i32
      %dma_start3A_193 = tpu.memref_slice %arg2[%dma_start3A_192] : memref<64487424xi32, #tpu.memory_space<hbm>> -> memref<64487424xi32, #tpu.memory_space<hbm>>
      tpu.enqueue_indirect_dma source(%dma_start3A_193 : memref<64487424xi32, #tpu.memory_space<hbm>>) target(%dma_start3A_188 : memref<128xi32, #tpu.memory_space<vmem>>) offsets(%dma_start3A_191 : memref<128xi32, #tpu.memory_space<vmem>>) semaphore(%arg10 : memref<!tpu.dma_semaphore, #tpu.memory_space<semaphore_mem>>)
      %mul3A_194 = arith.constant 16 : i32
      %mul3A_195 = arith.muli %scan3A_14, %mul3A_194 : i32
      %add3A_196 = arith.constant 15 : i32
      %add3A_197 = arith.addi %mul3A_195, %add3A_196 : i32
      %mul3A_198 = arith.constant 128 : i32
      %mul3A_199 = arith.muli %add3A_197, %mul3A_198 : i32
      %dma_start3A_200 = tpu.memref_slice %arg7[%mul3A_199] : memref<51200xi32, #tpu.memory_space<vmem>> -> memref<128xi32, #tpu.memory_space<vmem>>
      %dma_start3A_201 = arith.constant 0 : i32
      %dma_start3A_202 = tpu.memref_slice %arg6[%add3A_197, %dma_start3A_201] : memref<400x128xi32, #tpu.memory_space<vmem>> -> memref<1x128xi32, #tpu.memory_space<vmem>>
      %dma_start3A_203 = tpu.memref_squeeze %dma_start3A_202 : memref<1x128xi32, #tpu.memory_space<vmem>> -> memref<128xi32, #tpu.memory_space<vmem>>
      %dma_start3A_204 = arith.constant 0 : i32
      %dma_start3A_205 = tpu.memref_slice %arg2[%dma_start3A_204] : memref<64487424xi32, #tpu.memory_space<hbm>> -> memref<64487424xi32, #tpu.memory_space<hbm>>
      tpu.enqueue_indirect_dma source(%dma_start3A_205 : memref<64487424xi32, #tpu.memory_space<hbm>>) target(%dma_start3A_200 : memref<128xi32, #tpu.memory_space<vmem>>) offsets(%dma_start3A_203 : memref<128xi32, #tpu.memory_space<vmem>>) semaphore(%arg10 : memref<!tpu.dma_semaphore, #tpu.memory_space<semaphore_mem>>)
      %dma_wait3A = tpu.memref_slice %arg7[%mul3A_20] : memref<51200xi32, #tpu.memory_space<vmem>> -> memref<128xi32, #tpu.memory_space<vmem>>
      %dma_wait3A_206 = arith.constant 0 : i32
      %dma_wait3A_207 = tpu.memref_slice %arg6[%add3A_18, %dma_wait3A_206] : memref<400x128xi32, #tpu.memory_space<vmem>> -> memref<1x128xi32, #tpu.memory_space<vmem>>
      %dma_wait3A_208 = tpu.memref_squeeze %dma_wait3A_207 : memref<1x128xi32, #tpu.memory_space<vmem>> -> memref<128xi32, #tpu.memory_space<vmem>>
      %dma_wait3A_209 = arith.constant 0 : i32
      %dma_wait3A_210 = tpu.memref_slice %arg2[%dma_wait3A_209] : memref<64487424xi32, #tpu.memory_space<hbm>> -> memref<64487424xi32, #tpu.memory_space<hbm>>
      tpu.wait_indirect_dma semaphore(%arg10 : memref<!tpu.dma_semaphore, #tpu.memory_space<semaphore_mem>>) src(%dma_wait3A_210 : memref<64487424xi32, #tpu.memory_space<hbm>>) dst(%dma_wait3A : memref<128xi32, #tpu.memory_space<vmem>>)
      %dma_wait3A_211 = tpu.memref_slice %arg7[%mul3A_31] : memref<51200xi32, #tpu.memory_space<vmem>> -> memref<128xi32, #tpu.memory_space<vmem>>
      %dma_wait3A_212 = arith.constant 0 : i32
      %dma_wait3A_213 = tpu.memref_slice %arg6[%add3A_29, %dma_wait3A_212] : memref<400x128xi32, #tpu.memory_space<vmem>> -> memref<1x128xi32, #tpu.memory_space<vmem>>
      %dma_wait3A_214 = tpu.memref_squeeze %dma_wait3A_213 : memref<1x128xi32, #tpu.memory_space<vmem>> -> memref<128xi32, #tpu.memory_space<vmem>>
      %dma_wait3A_215 = arith.constant 0 : i32
      %dma_wait3A_216 = tpu.memref_slice %arg2[%dma_wait3A_215] : memref<64487424xi32, #tpu.memory_space<hbm>> -> memref<64487424xi32, #tpu.memory_space<hbm>>
      tpu.wait_indirect_dma semaphore(%arg10 : memref<!tpu.dma_semaphore, #tpu.memory_space<semaphore_mem>>) src(%dma_wait3A_216 : memref<64487424xi32, #tpu.memory_space<hbm>>) dst(%dma_wait3A_211 : memref<128xi32, #tpu.memory_space<vmem>>)
      %dma_wait3A_217 = tpu.memref_slice %arg7[%mul3A_43] : memref<51200xi32, #tpu.memory_space<vmem>> -> memref<128xi32, #tpu.memory_space<vmem>>
      %dma_wait3A_218 = arith.constant 0 : i32
      %dma_wait3A_219 = tpu.memref_slice %arg6[%add3A_41, %dma_wait3A_218] : memref<400x128xi32, #tpu.memory_space<vmem>> -> memref<1x128xi32, #tpu.memory_space<vmem>>
      %dma_wait3A_220 = tpu.memref_squeeze %dma_wait3A_219 : memref<1x128xi32, #tpu.memory_space<vmem>> -> memref<128xi32, #tpu.memory_space<vmem>>
      %dma_wait3A_221 = arith.constant 0 : i32
      %dma_wait3A_222 = tpu.memref_slice %arg2[%dma_wait3A_221] : memref<64487424xi32, #tpu.memory_space<hbm>> -> memref<64487424xi32, #tpu.memory_space<hbm>>
      tpu.wait_indirect_dma semaphore(%arg10 : memref<!tpu.dma_semaphore, #tpu.memory_space<semaphore_mem>>) src(%dma_wait3A_222 : memref<64487424xi32, #tpu.memory_space<hbm>>) dst(%dma_wait3A_217 : memref<128xi32, #tpu.memory_space<vmem>>)
      %dma_wait3A_223 = tpu.memref_slice %arg7[%mul3A_55] : memref<51200xi32, #tpu.memory_space<vmem>> -> memref<128xi32, #tpu.memory_space<vmem>>
      %dma_wait3A_224 = arith.constant 0 : i32
      %dma_wait3A_225 = tpu.memref_slice %arg6[%add3A_53, %dma_wait3A_224] : memref<400x128xi32, #tpu.memory_space<vmem>> -> memref<1x128xi32, #tpu.memory_space<vmem>>
      %dma_wait3A_226 = tpu.memref_squeeze %dma_wait3A_225 : memref<1x128xi32, #tpu.memory_space<vmem>> -> memref<128xi32, #tpu.memory_space<vmem>>
      %dma_wait3A_227 = arith.constant 0 : i32
      %dma_wait3A_228 = tpu.memref_slice %arg2[%dma_wait3A_227] : memref<64487424xi32, #tpu.memory_space<hbm>> -> memref<64487424xi32, #tpu.memory_space<hbm>>
      tpu.wait_indirect_dma semaphore(%arg10 : memref<!tpu.dma_semaphore, #tpu.memory_space<semaphore_mem>>) src(%dma_wait3A_228 : memref<64487424xi32, #tpu.memory_space<hbm>>) dst(%dma_wait3A_223 : memref<128xi32, #tpu.memory_space<vmem>>)
      %dma_wait3A_229 = tpu.memref_slice %arg7[%mul3A_67] : memref<51200xi32, #tpu.memory_space<vmem>> -> memref<128xi32, #tpu.memory_space<vmem>>
      %dma_wait3A_230 = arith.constant 0 : i32
      %dma_wait3A_231 = tpu.memref_slice %arg6[%add3A_65, %dma_wait3A_230] : memref<400x128xi32, #tpu.memory_space<vmem>> -> memref<1x128xi32, #tpu.memory_space<vmem>>
      %dma_wait3A_232 = tpu.memref_squeeze %dma_wait3A_231 : memref<1x128xi32, #tpu.memory_space<vmem>> -> memref<128xi32, #tpu.memory_space<vmem>>
      %dma_wait3A_233 = arith.constant 0 : i32
      %dma_wait3A_234 = tpu.memref_slice %arg2[%dma_wait3A_233] : memref<64487424xi32, #tpu.memory_space<hbm>> -> memref<64487424xi32, #tpu.memory_space<hbm>>
      tpu.wait_indirect_dma semaphore(%arg10 : memref<!tpu.dma_semaphore, #tpu.memory_space<semaphore_mem>>) src(%dma_wait3A_234 : memref<64487424xi32, #tpu.memory_space<hbm>>) dst(%dma_wait3A_229 : memref<128xi32, #tpu.memory_space<vmem>>)
      %dma_wait3A_235 = tpu.memref_slice %arg7[%mul3A_79] : memref<51200xi32, #tpu.memory_space<vmem>> -> memref<128xi32, #tpu.memory_space<vmem>>
      %dma_wait3A_236 = arith.constant 0 : i32
      %dma_wait3A_237 = tpu.memref_slice %arg6[%add3A_77, %dma_wait3A_236] : memref<400x128xi32, #tpu.memory_space<vmem>> -> memref<1x128xi32, #tpu.memory_space<vmem>>
      %dma_wait3A_238 = tpu.memref_squeeze %dma_wait3A_237 : memref<1x128xi32, #tpu.memory_space<vmem>> -> memref<128xi32, #tpu.memory_space<vmem>>
      %dma_wait3A_239 = arith.constant 0 : i32
      %dma_wait3A_240 = tpu.memref_slice %arg2[%dma_wait3A_239] : memref<64487424xi32, #tpu.memory_space<hbm>> -> memref<64487424xi32, #tpu.memory_space<hbm>>
      tpu.wait_indirect_dma semaphore(%arg10 : memref<!tpu.dma_semaphore, #tpu.memory_space<semaphore_mem>>) src(%dma_wait3A_240 : memref<64487424xi32, #tpu.memory_space<hbm>>) dst(%dma_wait3A_235 : memref<128xi32, #tpu.memory_space<vmem>>)
      %dma_wait3A_241 = tpu.memref_slice %arg7[%mul3A_91] : memref<51200xi32, #tpu.memory_space<vmem>> -> memref<128xi32, #tpu.memory_space<vmem>>
      %dma_wait3A_242 = arith.constant 0 : i32
      %dma_wait3A_243 = tpu.memref_slice %arg6[%add3A_89, %dma_wait3A_242] : memref<400x128xi32, #tpu.memory_space<vmem>> -> memref<1x128xi32, #tpu.memory_space<vmem>>
      %dma_wait3A_244 = tpu.memref_squeeze %dma_wait3A_243 : memref<1x128xi32, #tpu.memory_space<vmem>> -> memref<128xi32, #tpu.memory_space<vmem>>
      %dma_wait3A_245 = arith.constant 0 : i32
      %dma_wait3A_246 = tpu.memref_slice %arg2[%dma_wait3A_245] : memref<64487424xi32, #tpu.memory_space<hbm>> -> memref<64487424xi32, #tpu.memory_space<hbm>>
      tpu.wait_indirect_dma semaphore(%arg10 : memref<!tpu.dma_semaphore, #tpu.memory_space<semaphore_mem>>) src(%dma_wait3A_246 : memref<64487424xi32, #tpu.memory_space<hbm>>) dst(%dma_wait3A_241 : memref<128xi32, #tpu.memory_space<vmem>>)
      %dma_wait3A_247 = tpu.memref_slice %arg7[%mul3A_103] : memref<51200xi32, #tpu.memory_space<vmem>> -> memref<128xi32, #tpu.memory_space<vmem>>
      %dma_wait3A_248 = arith.constant 0 : i32
      %dma_wait3A_249 = tpu.memref_slice %arg6[%add3A_101, %dma_wait3A_248] : memref<400x128xi32, #tpu.memory_space<vmem>> -> memref<1x128xi32, #tpu.memory_space<vmem>>
      %dma_wait3A_250 = tpu.memref_squeeze %dma_wait3A_249 : memref<1x128xi32, #tpu.memory_space<vmem>> -> memref<128xi32, #tpu.memory_space<vmem>>
      %dma_wait3A_251 = arith.constant 0 : i32
      %dma_wait3A_252 = tpu.memref_slice %arg2[%dma_wait3A_251] : memref<64487424xi32, #tpu.memory_space<hbm>> -> memref<64487424xi32, #tpu.memory_space<hbm>>
      tpu.wait_indirect_dma semaphore(%arg10 : memref<!tpu.dma_semaphore, #tpu.memory_space<semaphore_mem>>) src(%dma_wait3A_252 : memref<64487424xi32, #tpu.memory_space<hbm>>) dst(%dma_wait3A_247 : memref<128xi32, #tpu.memory_space<vmem>>)
      %dma_wait3A_253 = tpu.memref_slice %arg7[%mul3A_115] : memref<51200xi32, #tpu.memory_space<vmem>> -> memref<128xi32, #tpu.memory_space<vmem>>
      %dma_wait3A_254 = arith.constant 0 : i32
      %dma_wait3A_255 = tpu.memref_slice %arg6[%add3A_113, %dma_wait3A_254] : memref<400x128xi32, #tpu.memory_space<vmem>> -> memref<1x128xi32, #tpu.memory_space<vmem>>
      %dma_wait3A_256 = tpu.memref_squeeze %dma_wait3A_255 : memref<1x128xi32, #tpu.memory_space<vmem>> -> memref<128xi32, #tpu.memory_space<vmem>>
      %dma_wait3A_257 = arith.constant 0 : i32
      %dma_wait3A_258 = tpu.memref_slice %arg2[%dma_wait3A_257] : memref<64487424xi32, #tpu.memory_space<hbm>> -> memref<64487424xi32, #tpu.memory_space<hbm>>
      tpu.wait_indirect_dma semaphore(%arg10 : memref<!tpu.dma_semaphore, #tpu.memory_space<semaphore_mem>>) src(%dma_wait3A_258 : memref<64487424xi32, #tpu.memory_space<hbm>>) dst(%dma_wait3A_253 : memref<128xi32, #tpu.memory_space<vmem>>)
      %dma_wait3A_259 = tpu.memref_slice %arg7[%mul3A_127] : memref<51200xi32, #tpu.memory_space<vmem>> -> memref<128xi32, #tpu.memory_space<vmem>>
      %dma_wait3A_260 = arith.constant 0 : i32
      %dma_wait3A_261 = tpu.memref_slice %arg6[%add3A_125, %dma_wait3A_260] : memref<400x128xi32, #tpu.memory_space<vmem>> -> memref<1x128xi32, #tpu.memory_space<vmem>>
      %dma_wait3A_262 = tpu.memref_squeeze %dma_wait3A_261 : memref<1x128xi32, #tpu.memory_space<vmem>> -> memref<128xi32, #tpu.memory_space<vmem>>
      %dma_wait3A_263 = arith.constant 0 : i32
      %dma_wait3A_264 = tpu.memref_slice %arg2[%dma_wait3A_263] : memref<64487424xi32, #tpu.memory_space<hbm>> -> memref<64487424xi32, #tpu.memory_space<hbm>>
      tpu.wait_indirect_dma semaphore(%arg10 : memref<!tpu.dma_semaphore, #tpu.memory_space<semaphore_mem>>) src(%dma_wait3A_264 : memref<64487424xi32, #tpu.memory_space<hbm>>) dst(%dma_wait3A_259 : memref<128xi32, #tpu.memory_space<vmem>>)
      %dma_wait3A_265 = tpu.memref_slice %arg7[%mul3A_139] : memref<51200xi32, #tpu.memory_space<vmem>> -> memref<128xi32, #tpu.memory_space<vmem>>
      %dma_wait3A_266 = arith.constant 0 : i32
      %dma_wait3A_267 = tpu.memref_slice %arg6[%add3A_137, %dma_wait3A_266] : memref<400x128xi32, #tpu.memory_space<vmem>> -> memref<1x128xi32, #tpu.memory_space<vmem>>
      %dma_wait3A_268 = tpu.memref_squeeze %dma_wait3A_267 : memref<1x128xi32, #tpu.memory_space<vmem>> -> memref<128xi32, #tpu.memory_space<vmem>>
      %dma_wait3A_269 = arith.constant 0 : i32
      %dma_wait3A_270 = tpu.memref_slice %arg2[%dma_wait3A_269] : memref<64487424xi32, #tpu.memory_space<hbm>> -> memref<64487424xi32, #tpu.memory_space<hbm>>
      tpu.wait_indirect_dma semaphore(%arg10 : memref<!tpu.dma_semaphore, #tpu.memory_space<semaphore_mem>>) src(%dma_wait3A_270 : memref<64487424xi32, #tpu.memory_space<hbm>>) dst(%dma_wait3A_265 : memref<128xi32, #tpu.memory_space<vmem>>)
      %dma_wait3A_271 = tpu.memref_slice %arg7[%mul3A_151] : memref<51200xi32, #tpu.memory_space<vmem>> -> memref<128xi32, #tpu.memory_space<vmem>>
      %dma_wait3A_272 = arith.constant 0 : i32
      %dma_wait3A_273 = tpu.memref_slice %arg6[%add3A_149, %dma_wait3A_272] : memref<400x128xi32, #tpu.memory_space<vmem>> -> memref<1x128xi32, #tpu.memory_space<vmem>>
      %dma_wait3A_274 = tpu.memref_squeeze %dma_wait3A_273 : memref<1x128xi32, #tpu.memory_space<vmem>> -> memref<128xi32, #tpu.memory_space<vmem>>
      %dma_wait3A_275 = arith.constant 0 : i32
      %dma_wait3A_276 = tpu.memref_slice %arg2[%dma_wait3A_275] : memref<64487424xi32, #tpu.memory_space<hbm>> -> memref<64487424xi32, #tpu.memory_space<hbm>>
      tpu.wait_indirect_dma semaphore(%arg10 : memref<!tpu.dma_semaphore, #tpu.memory_space<semaphore_mem>>) src(%dma_wait3A_276 : memref<64487424xi32, #tpu.memory_space<hbm>>) dst(%dma_wait3A_271 : memref<128xi32, #tpu.memory_space<vmem>>)
      %dma_wait3A_277 = tpu.memref_slice %arg7[%mul3A_163] : memref<51200xi32, #tpu.memory_space<vmem>> -> memref<128xi32, #tpu.memory_space<vmem>>
      %dma_wait3A_278 = arith.constant 0 : i32
      %dma_wait3A_279 = tpu.memref_slice %arg6[%add3A_161, %dma_wait3A_278] : memref<400x128xi32, #tpu.memory_space<vmem>> -> memref<1x128xi32, #tpu.memory_space<vmem>>
      %dma_wait3A_280 = tpu.memref_squeeze %dma_wait3A_279 : memref<1x128xi32, #tpu.memory_space<vmem>> -> memref<128xi32, #tpu.memory_space<vmem>>
      %dma_wait3A_281 = arith.constant 0 : i32
      %dma_wait3A_282 = tpu.memref_slice %arg2[%dma_wait3A_281] : memref<64487424xi32, #tpu.memory_space<hbm>> -> memref<64487424xi32, #tpu.memory_space<hbm>>
      tpu.wait_indirect_dma semaphore(%arg10 : memref<!tpu.dma_semaphore, #tpu.memory_space<semaphore_mem>>) src(%dma_wait3A_282 : memref<64487424xi32, #tpu.memory_space<hbm>>) dst(%dma_wait3A_277 : memref<128xi32, #tpu.memory_space<vmem>>)
      %dma_wait3A_283 = tpu.memref_slice %arg7[%mul3A_175] : memref<51200xi32, #tpu.memory_space<vmem>> -> memref<128xi32, #tpu.memory_space<vmem>>
      %dma_wait3A_284 = arith.constant 0 : i32
      %dma_wait3A_285 = tpu.memref_slice %arg6[%add3A_173, %dma_wait3A_284] : memref<400x128xi32, #tpu.memory_space<vmem>> -> memref<1x128xi32, #tpu.memory_space<vmem>>
      %dma_wait3A_286 = tpu.memref_squeeze %dma_wait3A_285 : memref<1x128xi32, #tpu.memory_space<vmem>> -> memref<128xi32, #tpu.memory_space<vmem>>
      %dma_wait3A_287 = arith.constant 0 : i32
      %dma_wait3A_288 = tpu.memref_slice %arg2[%dma_wait3A_287] : memref<64487424xi32, #tpu.memory_space<hbm>> -> memref<64487424xi32, #tpu.memory_space<hbm>>
      tpu.wait_indirect_dma semaphore(%arg10 : memref<!tpu.dma_semaphore, #tpu.memory_space<semaphore_mem>>) src(%dma_wait3A_288 : memref<64487424xi32, #tpu.memory_space<hbm>>) dst(%dma_wait3A_283 : memref<128xi32, #tpu.memory_space<vmem>>)
      %dma_wait3A_289 = tpu.memref_slice %arg7[%mul3A_187] : memref<51200xi32, #tpu.memory_space<vmem>> -> memref<128xi32, #tpu.memory_space<vmem>>
      %dma_wait3A_290 = arith.constant 0 : i32
      %dma_wait3A_291 = tpu.memref_slice %arg6[%add3A_185, %dma_wait3A_290] : memref<400x128xi32, #tpu.memory_space<vmem>> -> memref<1x128xi32, #tpu.memory_space<vmem>>
      %dma_wait3A_292 = tpu.memref_squeeze %dma_wait3A_291 : memref<1x128xi32, #tpu.memory_space<vmem>> -> memref<128xi32, #tpu.memory_space<vmem>>
      %dma_wait3A_293 = arith.constant 0 : i32
      %dma_wait3A_294 = tpu.memref_slice %arg2[%dma_wait3A_293] : memref<64487424xi32, #tpu.memory_space<hbm>> -> memref<64487424xi32, #tpu.memory_space<hbm>>
      tpu.wait_indirect_dma semaphore(%arg10 : memref<!tpu.dma_semaphore, #tpu.memory_space<semaphore_mem>>) src(%dma_wait3A_294 : memref<64487424xi32, #tpu.memory_space<hbm>>) dst(%dma_wait3A_289 : memref<128xi32, #tpu.memory_space<vmem>>)
      %dma_wait3A_295 = tpu.memref_slice %arg7[%mul3A_199] : memref<51200xi32, #tpu.memory_space<vmem>> -> memref<128xi32, #tpu.memory_space<vmem>>
      %dma_wait3A_296 = arith.constant 0 : i32
      %dma_wait3A_297 = tpu.memref_slice %arg6[%add3A_197, %dma_wait3A_296] : memref<400x128xi32, #tpu.memory_space<vmem>> -> memref<1x128xi32, #tpu.memory_space<vmem>>
      %dma_wait3A_298 = tpu.memref_squeeze %dma_wait3A_297 : memref<1x128xi32, #tpu.memory_space<vmem>> -> memref<128xi32, #tpu.memory_space<vmem>>
      %dma_wait3A_299 = arith.constant 0 : i32
      %dma_wait3A_300 = tpu.memref_slice %arg2[%dma_wait3A_299] : memref<64487424xi32, #tpu.memory_space<hbm>> -> memref<64487424xi32, #tpu.memory_space<hbm>>
      tpu.wait_indirect_dma semaphore(%arg10 : memref<!tpu.dma_semaphore, #tpu.memory_space<semaphore_mem>>) src(%dma_wait3A_300 : memref<64487424xi32, #tpu.memory_space<hbm>>) dst(%dma_wait3A_295 : memref<128xi32, #tpu.memory_space<vmem>>)
    }
    %scan3A_5 = arith.constant 25 : i32
    %scan3A_6 = arith.constant 0 : i32
    %scan3A_7 = arith.constant 0 : i32
    %scan3A_8 = arith.constant 32 : i32
    %scan3A_9 = arith.addi %scan3A_7, %scan3A_8 : i32
    %scan3A_10 = arith.constant 1 : i32
    scf.for %scan3A_14 = %scan3A_7 to %scan3A_9 step %scan3A_10  : i32 {
      %get3A = arith.constant 0 : index
      %get3A_15 = tpu.vector_load %arg8[%get3A] {strides = array<i32>} : memref<16xf32, #tpu.memory_space<vmem>>, vector<16xf32>,
      %get3A_16 = vector.shape_cast %get3A_15 : vector<16xf32> to vector<16xf32>
      %scan3A_17 = arith.constant 0 : i32
      %scan3A_18 = arith.constant 50 : i32
      %scan3A_19 = arith.addi %scan3A_17, %scan3A_18 : i32
      %scan3A_20 = arith.constant 1 : i32
      %scan3A_21 = scf.for %scan3A_41 = %scan3A_17 to %scan3A_19 step %scan3A_20 iter_args(%scan3A_42 = %get3A_16) -> (vector<16xf32>)  : i32 {
        %mul3A_43 = arith.constant 512 : i32
        %mul3A_44 = arith.muli %scan3A_41, %mul3A_43 : i32
        %mul3A_45 = arith.constant 16 : i32
        %mul3A_46 = arith.muli %scan3A_14, %mul3A_45 : i32
        %add3A_47 = arith.addi %mul3A_44, %mul3A_46 : i32
        %get3A_48 = arith.index_cast %add3A_47 : i32 to index
        %get3A_49 = tpu.vector_load %arg7[%get3A_48] {strides = array<i32>} : memref<51200xi32, #tpu.memory_space<vmem>>, vector<16xi32>,
        %get3A_50 = vector.shape_cast %get3A_49 : vector<16xi32> to vector<16xi32>
        %shift_left3A = arith.constant 16 : i32
        %shift_left3A_51 = vector.broadcast %shift_left3A : i32 to vector<16xi32>
        %shift_left3A_52 = arith.shli %get3A_50, %shift_left3A_51 : vector<16xi32>
        %bitcast_convert_type3A = tpu.bitcast %shift_left3A_52 : vector<16xi32> -> vector<16xf32>
        %add3A_53 = arith.addf %scan3A_42, %bitcast_convert_type3A : vector<16xf32>
        scf.yield %add3A_53 : vector<16xf32>
      }
      %scan3A_22 = arith.constant 50 : i32
      %scan3A_23 = arith.constant 50 : i32
      %scan3A_24 = arith.constant 50 : i32
      %scan3A_25 = arith.addi %scan3A_23, %scan3A_24 : i32
      %scan3A_26 = arith.constant 1 : i32
      %scan3A_27 = scf.for %scan3A_41 = %scan3A_23 to %scan3A_25 step %scan3A_26 iter_args(%scan3A_42 = %scan3A_21) -> (vector<16xf32>)  : i32 {
        %mul3A_43 = arith.constant 512 : i32
        %mul3A_44 = arith.muli %scan3A_41, %mul3A_43 : i32
        %mul3A_45 = arith.constant 16 : i32
        %mul3A_46 = arith.muli %scan3A_14, %mul3A_45 : i32
        %add3A_47 = arith.addi %mul3A_44, %mul3A_46 : i32
        %get3A_48 = arith.index_cast %add3A_47 : i32 to index
        %get3A_49 = tpu.vector_load %arg7[%get3A_48] {strides = array<i32>} : memref<51200xi32, #tpu.memory_space<vmem>>, vector<16xi32>,
        %get3A_50 = vector.shape_cast %get3A_49 : vector<16xi32> to vector<16xi32>
        %and3A = arith.constant -65536 : i32
        %and3A_51 = vector.broadcast %and3A : i32 to vector<16xi32>
        %and3A_52 = arith.andi %get3A_50, %and3A_51 : vector<16xi32>
        %bitcast_convert_type3A = tpu.bitcast %and3A_52 : vector<16xi32> -> vector<16xf32>
        %add3A_53 = arith.addf %scan3A_42, %bitcast_convert_type3A : vector<16xf32>
        scf.yield %add3A_53 : vector<16xf32>
      }
      %scan3A_28 = arith.constant 50 : i32
      %neg3A = arith.constant 0.000000e+00 : f32
      %neg3A_29 = vector.broadcast %neg3A : f32 to vector<16xf32>
      %neg3A_30 = arith.subf %neg3A_29, %scan3A_27 : vector<16xf32>
      %exp3A = math.exp %neg3A_30 : vector<16xf32>
      %add3A_31 = arith.constant 1.000000e+00 : f32
      %add3A_32 = vector.broadcast %add3A_31 : f32 to vector<16xf32>
      %add3A_33 = arith.addf %add3A_32, %exp3A : vector<16xf32>
      %div3A = arith.constant 1.000000e+00 : f32
      %div3A_34 = vector.broadcast %div3A : f32 to vector<16xf32>
      %div3A_35 = arith.divf %div3A_34, %add3A_33 : vector<16xf32>
      %mul3A_36 = arith.constant 16 : i32
      %mul3A_37 = arith.muli %scan3A_14, %mul3A_36 : i32
      %swap3A = arith.index_cast %mul3A_37 : i32 to index
      %swap3A_38 = tpu.vector_load %arg9[%swap3A] {strides = array<i32>} : memref<512xf32, #tpu.memory_space<vmem>>, vector<16xf32>,
      %swap3A_39 = vector.shape_cast %swap3A_38 : vector<16xf32> to vector<16xf32>
      %swap3A_40 = vector.shape_cast %div3A_35 : vector<16xf32> to vector<16xf32>
      tpu.vector_store %arg9[%swap3A], %swap3A_40 {strides = array<i32>} : memref<512xf32, #tpu.memory_space<vmem>>, vector<16xf32>,
    }
    %scan3A_11 = arith.constant 32 : i32
    %mul3A_12 = arith.constant 512 : i32
    %mul3A_13 = arith.muli %add3A, %mul3A_12 : i32
    "tpu.region"() ({
      %run_scoped3A = tpu.sem_alloc : memref<!tpu.dma_semaphore, #tpu.memory_space<semaphore_mem>>
      %dma_start3A = tpu.memref_slice %arg5[%mul3A_13] : memref<16384xf32, #tpu.memory_space<hbm>> -> memref<512xf32, #tpu.memory_space<hbm>>
      %dma_start3A_14 = tpu.memref_slice %arg5[%mul3A_13] : memref<16384xf32, #tpu.memory_space<hbm>> -> memref<512xf32, #tpu.memory_space<hbm>>
      tpu.enqueue_dma source(%arg9 : memref<512xf32, #tpu.memory_space<vmem>>) target(%dma_start3A_14 : memref<512xf32, #tpu.memory_space<hbm>>) target_semaphore(%run_scoped3A : memref<!tpu.dma_semaphore, #tpu.memory_space<semaphore_mem>>)
      %dma_wait3A = tpu.memref_slice %arg5[%mul3A_13] : memref<16384xf32, #tpu.memory_space<hbm>> -> memref<512xf32, #tpu.memory_space<hbm>>
      %dma_wait3A_15 = tpu.memref_slice %arg5[%mul3A_13] : memref<16384xf32, #tpu.memory_space<hbm>> -> memref<512xf32, #tpu.memory_space<hbm>>
      tpu.wait_dma2 semaphore(%run_scoped3A : memref<!tpu.dma_semaphore, #tpu.memory_space<semaphore_mem>>) src(%arg9 : memref<512xf32, #tpu.memory_space<vmem>>) dst(%dma_wait3A_15 : memref<512xf32, #tpu.memory_space<hbm>>)
      tpu.yield
    }) : () -> ()
    return
  }
}

module attributes {stable_mosaic.version = 14 : i64} {
  func.func @_mm_body(%arg0: i32, %arg1: memref<300x4096xf32, #tpu.memory_space<vmem>>, %arg2: memref<300x4096xf32, #tpu.memory_space<vmem>>, %arg3: memref<300x128xbf16, #tpu.memory_space<vmem>>, %arg4: memref<4096x128xi32, #tpu.memory_space<vmem>>) attributes {dimension_semantics = [#tpu.dimension_semantics<arbitrary>], iteration_bounds = array<i64: 123>, scalar_prefetch = 0 : i64, scratch_operands = 0 : i64, tpu.core_type = #tpu.core_type<tc>, window_params = [{transform_indices = @transform_0, window_bounds = array<i64: 300, 4096>}, {transform_indices = @transform_1, window_bounds = array<i64: 300, 4096>}, {pipeline_mode = #tpu.pipeline_mode<synchronous>, transform_indices = @transform_2, window_bounds = array<i64: 300, 128>}, {transform_indices = @transform_3, window_bounds = array<i64: 4096, 128>}]} {
    %get3A = arith.constant 0 : index
    %get3A_0 = arith.constant 0 : index
    %get3A_1 = vector.load %arg1[%get3A, %get3A_0] : memref<300x4096xf32, #tpu.memory_space<vmem>>, vector<300x4096xf32>
    %convert_element_type3A = arith.truncf %get3A_1 : vector<300x4096xf32> to vector<300x4096xbf16>
    %get3A_2 = arith.constant 0 : index
    %get3A_3 = arith.constant 0 : index
    %get3A_4 = vector.load %arg3[%get3A_2, %get3A_3] : memref<300x128xbf16, #tpu.memory_space<vmem>>, vector<300x128xbf16>
    %dot_general3A = arith.constant dense<0.000000e+00> : vector<4096x128xf32>
    %dot_general3A_5 = tpu.matmul %convert_element_type3A, %get3A_4, %dot_general3A {dimension_numbers = #tpu.dot_dimension_numbers<[0], [0], [1], [1], [0, 1, 1, 1], [], []>, transpose_lhs_hint = false} : vector<300x4096xbf16>, vector<300x128xbf16>, vector<4096x128xf32> -> vector<4096x128xf32>
    %get3A_6 = arith.constant 0 : index
    %get3A_7 = arith.constant 0 : index
    %get3A_8 = vector.load %arg2[%get3A_6, %get3A_7] : memref<300x4096xf32, #tpu.memory_space<vmem>>, vector<300x4096xf32>
    %convert_element_type3A_9 = arith.truncf %get3A_8 : vector<300x4096xf32> to vector<300x4096xbf16>
    %get3A_10 = arith.constant 0 : index
    %get3A_11 = arith.constant 0 : index
    %get3A_12 = vector.load %arg3[%get3A_10, %get3A_11] : memref<300x128xbf16, #tpu.memory_space<vmem>>, vector<300x128xbf16>
    %dot_general3A_13 = arith.constant dense<0.000000e+00> : vector<4096x128xf32>
    %dot_general3A_14 = tpu.matmul %convert_element_type3A_9, %get3A_12, %dot_general3A_13 {dimension_numbers = #tpu.dot_dimension_numbers<[0], [0], [1], [1], [0, 1, 1, 1], [], []>, transpose_lhs_hint = false} : vector<300x4096xbf16>, vector<300x128xbf16>, vector<4096x128xf32> -> vector<4096x128xf32>
    %slice3A = vector.extract_strided_slice %dot_general3A_5 {offsets = [0, 0], sizes = [4096, 64], strides = [1, 1]} : vector<4096x128xf32> to vector<4096x64xf32>
    %slice3A_15 = vector.extract_strided_slice %dot_general3A_5 {offsets = [0, 64], sizes = [4096, 64], strides = [1, 1]} : vector<4096x128xf32> to vector<4096x64xf32>
    %bitcast_convert_type3A = tpu.bitcast %slice3A : vector<4096x64xf32> -> vector<4096x64xi32>
    %and3A = arith.constant -65536 : i32
    %and3A_16 = vector.broadcast %and3A : i32 to vector<4096x64xi32>
    %and3A_17 = arith.andi %bitcast_convert_type3A, %and3A_16 : vector<4096x64xi32>
    %shift_right_logical3A = arith.constant 16 : i32
    %shift_right_logical3A_18 = vector.broadcast %shift_right_logical3A : i32 to vector<4096x64xi32>
    %shift_right_logical3A_19 = arith.shrui %and3A_17, %shift_right_logical3A_18 : vector<4096x64xi32>
    %bitcast_convert_type3A_20 = tpu.bitcast %slice3A_15 : vector<4096x64xf32> -> vector<4096x64xi32>
    %and3A_21 = arith.constant -65536 : i32
    %and3A_22 = vector.broadcast %and3A_21 : i32 to vector<4096x64xi32>
    %and3A_23 = arith.andi %bitcast_convert_type3A_20, %and3A_22 : vector<4096x64xi32>
    %or3A = arith.ori %shift_right_logical3A_19, %and3A_23 : vector<4096x64xi32>
    %slice3A_24 = vector.extract_strided_slice %dot_general3A_14 {offsets = [0, 0], sizes = [4096, 64], strides = [1, 1]} : vector<4096x128xf32> to vector<4096x64xf32>
    %slice3A_25 = vector.extract_strided_slice %dot_general3A_14 {offsets = [0, 64], sizes = [4096, 64], strides = [1, 1]} : vector<4096x128xf32> to vector<4096x64xf32>
    %bitcast_convert_type3A_26 = tpu.bitcast %slice3A_24 : vector<4096x64xf32> -> vector<4096x64xi32>
    %and3A_27 = arith.constant -65536 : i32
    %and3A_28 = vector.broadcast %and3A_27 : i32 to vector<4096x64xi32>
    %and3A_29 = arith.andi %bitcast_convert_type3A_26, %and3A_28 : vector<4096x64xi32>
    %shift_right_logical3A_30 = arith.constant 16 : i32
    %shift_right_logical3A_31 = vector.broadcast %shift_right_logical3A_30 : i32 to vector<4096x64xi32>
    %shift_right_logical3A_32 = arith.shrui %and3A_29, %shift_right_logical3A_31 : vector<4096x64xi32>
    %bitcast_convert_type3A_33 = tpu.bitcast %slice3A_25 : vector<4096x64xf32> -> vector<4096x64xi32>
    %and3A_34 = arith.constant -65536 : i32
    %and3A_35 = vector.broadcast %and3A_34 : i32 to vector<4096x64xi32>
    %and3A_36 = arith.andi %bitcast_convert_type3A_33, %and3A_35 : vector<4096x64xi32>
    %or3A_37 = arith.ori %shift_right_logical3A_32, %and3A_36 : vector<4096x64xi32>
    %concatenate3A = tpu.concatenate %or3A, %or3A_37 in 1 : vector<4096x64xi32>, vector<4096x64xi32> -> vector<4096x128xi32>
    %swap3A = arith.constant 0 : index
    %swap3A_38 = arith.constant 0 : index
    %swap3A_39 = vector.load %arg4[%swap3A, %swap3A_38] : memref<4096x128xi32, #tpu.memory_space<vmem>>, vector<4096x128xi32>
    tpu.vector_store %arg4[%swap3A, %swap3A_38], %concatenate3A {strides = array<i32>} : memref<4096x128xi32, #tpu.memory_space<vmem>>, vector<4096x128xi32>,
    return
  }
  func.func @transform_0(%arg0: i32) -> (i32, i32) {
    %c0_i32 = arith.constant 0 : i32
    %c0_i32_0 = arith.constant 0 : i32
    return %c0_i32, %arg0 : i32, i32
  }
  func.func @transform_1(%arg0: i32) -> (i32, i32) {
    %add3A = arith.constant 123 : i32
    %add3A_0 = arith.addi %arg0, %add3A : i32
    %min3A = arith.constant 244 : i32
    %min3A_1 = arith.minsi %add3A_0, %min3A : i32
    %c0_i32 = arith.constant 0 : i32
    %c0_i32_2 = arith.constant 0 : i32
    return %c0_i32, %min3A_1 : i32, i32
  }
  func.func @transform_2(%arg0: i32) -> (i32, i32) {
    %c0_i32 = arith.constant 0 : i32
    %c0_i32_0 = arith.constant 0 : i32
    %c0_i32_1 = arith.constant 0 : i32
    return %c0_i32, %c0_i32_0 : i32, i32
  }
  func.func @transform_3(%arg0: i32) -> (i32, i32) {
    %c0_i32 = arith.constant 0 : i32
    %c0_i32_0 = arith.constant 0 : i32
    return %arg0, %c0_i32 : i32, i32
  }
}

</mosaic_0001>

<sc_bundles>
// kernel: kernel.4.cloned.1.call-start
scs
__scs_entry_jumppad:
0x0: {  	(pc) =	sbr.rel $0x88, $3  }
0x1: {  	(tag) =	ssettag $0x0;
	lr =	simm.s32 $0x1  }
0x2: {  	[smem:$0x3F9C] =	sst lr;
	_ =	strace $0xD0000000  }
0x3: {  	_ = 	snop  }
0x4: {  	_ = 	snop  }
0x5: {  	_ = 	snop  }
0x6: {  	_ = 	snop  }
0x7: {  	_ = 	snop  }
__scs_overlays_trampoline_lowered:
0x8: {  	[smem:$0x3FAB] =	sst s0  }
0x9: {  	[smem:$0x3FAC] =	sst s1  }
0xa: {  	[smem:$0x3FAD] =	sst s2  }
0xb: {  	[smem:$0x3FAE] =	sst s3  }
0xc: {  	[smem:$0x3FAF] =	sst s4  }
0xd: {  	[smem:$0x3FB0] =	sst s5  }
0xe: {  	[smem:$0x3FB1] =	sst s6  }
0xf: {  	[smem:$0x3FB2] =	sst s7  }
0x10: {  	[smem:$0x3FB3] =	sst s8  }
0x11: {  	[smem:$0x3FB4] =	sst s9;
	s0 =	simm.s32 @!p0 $0x0  }
0x12: {  	s1 =	sld [smem:$0x3F9A];
	s0 =	simm.s32 @p0 $0x1  }
0x13: {  	[smem:$0x3FB5] =	sst s0;
	s0 =	simm.s32 @!p1 $0x0  }
0x14: {  	s2 =	sld [smem:$0x3F99];
	s0 =	simm.s32 @p1 $0x1  }
0x15: {  	[smem:$0x3FB6] =	sst s0;
	s0 =	simm.s32 @!p2 $0x0  }
0x16: {  	s3 =	sld [smem:$0x3FDB];
	s0 =	simm.s32 @p2 $0x1  }
0x17: {  	s4 =	simm.s32 $0x1BF5;
	[smem:$0x3FB8] =	sst s0  }
0x18: {  	s0 =	sld [smem:$0x3F9B];
	_ =	swait.ge [sflag:s4], $0x0  }
0x19: {  	s7 =	sld [smem:$0x3F9C]  }
0x1a: {  	s8 =	sadd.s32 $0xFFFFE003, lr  }
0x1b: {  	s9 =	sadd.s32 $0xFFFFFEF7, lr;
	s5 =	simm.s32 $0xFFFFFFFF;
	p2 =	slt.u32 s8, $0xFFFFF086  }
0x1c: {  	p1 =	slt.u32 s9, $0xF7A;
	s5 =	simm.s32 @!p2 $0x0  }
0x1d: {  	s5 =	simm.s32 @p1 $0x1;
	p0 =	seq.s32 s7, s2  }
0x1e: {  	s7 =	smul.u32 @!p0 $0xF7A, s2;
	p2 =	seq.s32 @!p0 s5, $0x0  }
0x1f: {  	s9 =	smul.u32 $0xF7A, s1;
	s8 =	simm.s32 @!p0 $0x1BF5;
	p2 =	por !p2, p0  }
0x20: {  	[sflag:s8] =	ssyncset.s32 @!p0 $0xFFFFF086;
	s6 =	sadd.s32 @!p0 s3, s7;
	s7 =	simm.s32 @!p0 $0x108  }
0x21: {  	s3 =	sadd.s32 s3, s9;
	s6 =	sadd.s32 @!p0 $0x88, s6;
	s7 =	simm.s32 @p2 $0x1082  }
0x22: {  	[simem:s7], [sflag:s8] =	dma.local @!p0 [hbm:s6], $0xF7A  }
0x23: {  	s9 =	sor.u32 $0xD0000000, s2;
	s6 =	simm.s32 $0x108;
	_ =	swait.ge @!p0 [sflag:s8], $0x0  }
0x24: {  	s3 =	sadd.s32 $0x88, s3;
	s6 =	simm.s32 @!p1 $0x1082;
	[sflag:s4] =	ssyncset.s32 $0xFFFFF086  }
0x25: {  	[simem:s6], [sflag:s4] =	dma.local [hbm:s3], $0xF7A  }
0x26: {  	[smem:$0x3F9C] =	sst s1;
	(tag) =	ssettag s2;
	_ =	strace s9  }
0x27: {  	s1 =	sld [smem:$0x3FAC]  }
0x28: {  	s2 =	sld [smem:$0x3FAD]  }
0x29: {  	s4 =	sld [smem:$0x3FAF]  }
0x2a: {  	p0 =	seq.s32 s5, $0x0;
	s5 =	sld [smem:$0x3FB0]  }
0x2b: {  	s6 =	sld [smem:$0x3FB1]  }
0x2c: {  	s7 =	sld [smem:$0x3FB2]  }
0x2d: {  	s3 =	simm.s32 $0x108;
	s8 =	sld [smem:$0x3FB3]  }
0x2e: {  	s3 =	simm.s32 @!p0 $0x1082;
	s9 =	sld [smem:$0x3FB4]  }
0x2f: {  	lr =	sadd.s32 s0, s3;
	s0 =	sld [smem:$0x3FAB]  }
0x30: {  	s3 =	sld [smem:$0x3FAE]  }
0x31: {  	[smem:$0x3FB7] =	sst s10  }
0x32: {  	s10 =	sld [smem:$0x3FB5];
	_ =	sdelay $0x3  }
0x33: {  	p0 =	seq.s32 s10, $0x1;
	s10 =	sld [smem:$0x3FB7];
	_ =	sdelay $0x3  }
0x34: {  	[smem:$0x3FB7] =	sst s10  }
0x35: {  	s10 =	sld [smem:$0x3FB6];
	_ =	sdelay $0x3  }
0x36: {  	p1 =	seq.s32 s10, $0x1;
	s10 =	sld [smem:$0x3FB7];
	_ =	sdelay $0x3  }
0x37: {  	[smem:$0x3FB7] =	sst s10  }
0x38: {  	s10 =	sld [smem:$0x3FB8]  }
0x39: {  	_ = 	snop;
	(pc) =	sbr.ind lr, $3  }
0x3a: {  	_ = 	snop  }
0x3b: {  	_ = 	snop  }
0x3c: {  	p2 =	seq.s32 s10, $0x1;
	s10 =	sld [smem:$0x3FB7]  }
0x3d: {  	_ =	shalt  }
0x3e: {  	_ =	shalt  }
0x3f: {  	_ =	shalt  }
0x40: {  	_ =	shalt  }
0x41: {  	_ =	shalt  }
0x42: {  	_ =	shalt  }
0x43: {  	_ =	shalt  }
0x44: {  	_ =	shalt  }
0x45: {  	_ =	shalt  }
0x46: {  	_ =	shalt  }
0x47: {  	_ =	shalt  }
0x48: {  	_ =	shalt  }
0x49: {  	_ =	shalt  }
0x4a: {  	_ =	shalt  }
0x4b: {  	_ =	shalt  }
0x4c: {  	_ =	shalt  }
0x4d: {  	_ =	shalt  }
0x4e: {  	_ =	shalt  }
0x4f: {  	_ =	shalt  }
0x50: {  	_ =	shalt  }
0x51: {  	_ =	shalt  }
0x52: {  	_ =	shalt  }
0x53: {  	_ =	shalt  }
0x54: {  	_ =	shalt  }
0x55: {  	_ =	shalt  }
0x56: {  	_ =	shalt  }
0x57: {  	_ =	shalt  }
0x58: {  	_ =	shalt  }
0x59: {  	_ =	shalt  }
0x5a: {  	_ =	shalt  }
0x5b: {  	_ =	shalt  }
0x5c: {  	_ =	shalt  }
0x5d: {  	_ =	shalt  }
0x5e: {  	_ =	shalt  }
0x5f: {  	_ =	shalt  }
0x60: {  	_ =	shalt  }
0x61: {  	_ =	shalt  }
0x62: {  	_ =	shalt  }
0x63: {  	_ =	shalt  }
0x64: {  	_ =	shalt  }
0x65: {  	_ =	shalt  }
0x66: {  	_ =	shalt  }
0x67: {  	_ =	shalt  }
0x68: {  	_ =	shalt  }
0x69: {  	_ =	shalt  }
0x6a: {  	_ =	shalt  }
0x6b: {  	_ =	shalt  }
0x6c: {  	_ =	shalt  }
0x6d: {  	_ =	shalt  }
0x6e: {  	_ =	shalt  }
0x6f: {  	_ =	shalt  }
0x70: {  	_ =	shalt  }
0x71: {  	_ =	shalt  }
0x72: {  	_ =	shalt  }
0x73: {  	_ =	shalt  }
0x74: {  	_ =	shalt  }
0x75: {  	_ =	shalt  }
0x76: {  	_ =	shalt  }
0x77: {  	_ =	shalt  }
0x78: {  	_ =	shalt  }
0x79: {  	_ =	shalt  }
0x7a: {  	_ =	shalt  }
0x7b: {  	_ =	shalt  }
0x7c: {  	_ =	shalt  }
0x7d: {  	_ =	shalt  }
0x7e: {  	_ =	shalt  }
0x7f: {  	_ =	shalt  }
0x80: {  	_ =	shalt  }
0x81: {  	_ =	shalt  }
0x82: {  	_ =	shalt  }
0x83: {  	_ =	shalt  }
0x84: {  	_ =	shalt  }
0x85: {  	_ =	shalt  }
0x86: {  	_ =	shalt  }
0x87: {  	_ =	shalt  }
.Lfunc_end0:
.L_simem_size_0:
called_computation_lowered:
.L_overlay_start_0:
0x88: {  	s2 =	sld [smem:$0x3FD9]  }
0x89: {  	s3 =	sld [smem:$0x3FFE];
	_ =	sdelay $0x1  }
0x8a: {  	s1 =	srdreg.scid  }
0x8b: {  	s0 =	sand.u32 $0x1, s1  }
0x8c: {  	s17 =	sshll.u32 s0, $0xA;
	s2 =	sadd.s32 s3, s2  }
0x8d: {  	s2 =	sadd.s32 s2, s17  }
0x8e: {  	[smem:$0x3FC3] =	sst s2  }
0x8f: {  	_ = 	snop  }
0x90: {  	s2 =	sld [smem:$0x3FD0];
	(tm) =	ssettm $0x1  }
0x91: {  	s18 =	sld [smem:$0x3FFB];
	_ =	sdelay $0x3  }
0x92: {  	_ =	strace s18  }
0x93: {  	s3 =	sld [smem:$0x3FFC];
	_ =	sdelay $0x3  }
0x94: {  	_ =	strace s3  }
0x95: {  	s3 =	sld [smem:$0x3FFD];
	_ =	sdelay $0x3  }
0x96: {  	_ =	strace s3  }
0x97: {  	_ =	strace $0x8FFFFFFF  }
0x98: {  	s19 =	sld [smem:$0x3FDB];
	_ =	sdelay $0x1  }
0x99: {  	s4 =	simm.s32 $_scs_section_size  }
0x9a: {  	s5 =	simm.s32 $_size__tile_overlayer_lowered;
	s6 =	simm.s32 $_tile_overlayer_lowered  }
0x9b: {  	s22 =	simm.s32 $0x1BFF;
	s21 =	sshll.u32 s6, $0x1;
	s3 =	sadd.s32 s4, s19  }
0x9c: {  	s7 =	simm.s32 $0x0;
	s20 =	sshll.u32 s5, $0x1;
	s5 =	sadd.s32 s21, s3  }
0x9d: {  	[timem:s7], [sflag:s22] =	dma.local [hbm:s5], s20  }
0x9e: {  	_ =	swait.ge [sflag:s22], s20  }
0x9f: {  	s4 =	ssub.s32 $0x0, s20;
	[sflag:s22] =	ssyncset.done $0x0  }
0xa0: {  	[sflag:s22] =	ssyncadd.s32 s4;
	_ =	sdelay $0x1  }
0xa1: {  	s23 =	simm.s32 $0x1B8B  }
0xa2: {  	_ =	swait.ge [sflag:s23], $0x1  }
0xa3: {  	[sflag:s23] =	ssyncset.done $0x0  }
0xa4: {  	s25 =	simm.s32 $0x1B8E;
	s24 =	sld [smem:$0x3FFE];
	[sflag:s23] =	ssyncadd.s32 $0xFFFFFFFF  }
0xa5: {  	s26 =	simm.s32 $execute0_lowered;
	[smem:$0x3FD2] =	sst s25  }
0xa6: {  	s5 =	sshll.u32 s26, $0x1;
	_ =	strace $0x80000046;
	[dreg:$0x1] =	wrdreg $0xFFFFFFFF  }
0xa7: {  	s28 =	simm.s32 $_size_execute0_lowered;
	s3 =	sadd.s32 s3, s5;
	[dreg:$0x0] =	wrdreg $0x0  }
0xa8: {  	s5 =	sshll.u32 s28, $0x1;
	[dreg:$0x2] =	wrdreg s3  }
0xa9: {  	[dreg:$0x3] =	wrdreg s5  }
0xaa: {  	[dreg:$0x4] =	wrdreg $0xC0  }
0xab: {  	_ =	task [dreg:s7], $0x5FFFF  }
0xac: {  	[dreg:$0x1] =	wrdreg $0xFFFFFFFF  }
0xad: {  	[dreg:$0x0] =	wrdreg $0x60  }
0xae: {  	[dreg:$0x2] =	wrdreg s24  }
0xaf: {  	[dreg:$0x3] =	wrdreg s2  }
0xb0: {  	[dreg:$0x4] =	wrdreg $0x9  }
0xb1: {  	_ =	task.clear_ibuf [dreg:s7], $0x5FFFF;
	_ =	strace $0x90000046  }
0xb2: {  	s29 =	simm.s32 $0x9;
	_ =	strace $0x80000048  }
0xb3: {  	_ =	swait.ge [sflag:s29], $0x1  }
0xb4: {  	[sflag:s29] =	ssyncadd.s32 $0xFFFFFFFF  }
0xb5: {  	_ =	strace $0x90000048  }
0xb6: {  	_ =	sfence  }
0xb7: {  	s30 =	sld [smem:$0x0];
	_ =	sdelay $0x2  }
0xb8: {  	s31 =	sshll.u32 s1, $0xD;
	s1 =	sshrl.u32 s1, $0x2  }
0xb9: {  	s3 =	sand.u32 $0x4000, s31;
	s1 =	sadd.s32 s1, s30  }
0xba: {  	s0 =	sor.u32 s3, s0;
	s1 =	sshll.u32 s1, $0x11  }
0xbb: {  	s0 =	sor.u32 s1, s0  }
0xbc: {  	s0 =	sadd.s32 $0x8F2B, s0  }
0xbd: {  	[sflag:s0] =	ssyncadd.remote.s32 $0x1  }
0xbe: {  	_ =	sfence.sel $0xFFFF  }
0xbf: {  	[dreg:$0x0] =	wrdreg $0xFFFFFFFF;
	(pc) =	sbr.abs _section_cstart, $3  }
0xc0: {  	[dreg:$0x1] =	wrdreg $0xFFFFFFFF  }
0xc1: {  	_ =	task.clear_ibuf [dreg:s7], $0x2FFFF;
	_ =	strace $0x9FFFFFFF  }
0xc2: {  	(tm) =	ssettm $0x7FFFFFFF  }
0xc3: {  	_ =	shalt  }
tec
execute0_lowered:
.L_overlay_start_1:
0x0: {  	(tag) =	ssettag $0x1  }
0x1: {  	s4 =	rddreg [dreg:$0x0];
	s1 =	srdreg.scid  }
0x2: {  	s0 =	stileid.u32;
	s6 =	rddreg [dreg:$0x1]  }
0x3: {  	s2 =	simm.s32 $0x0;
	s10 =	simm.s32 $0x80;
	s11 =	simm.s32 $0x1  }
0x4: {  	s12 =	simm.s32 $0x19080;
	s3 =	sand.u32 $0x1, s1;
	s1 =	rddreg [dreg:$0x2]  }
0x5: {  	s13 =	simm.s32 $0x0;
	s5 =	sshll.u32 s0, $0x1;
	[smem:$0x7FF] =	sst s2  }
0x6: {  	s5 =	sor.u32 s3, s5;
	_ =	strace $0x80000047;
	s8 =	ssub.s32 $0x2, s3  }
0x7: {  	s7 =	smul.u32 $0x1900, s5;
	s9 =	sshrl.u32 s8, $0x1;
	s31 =	sshll.u32 s5, $0x6  }
0x8: {  	s3 =	sadd.s32 $0x32200, s4;
	s8 =	ssub.s32 s8, s9;
	s6 =	sadd.s32 s6, s31  }
0x9: {  	s9 =	simm.s32 $0x19000;
	s7 =	sadd.s32 s7, s4;
	s4 =	sadd.s32 $0x7E2200, s4  }
0xa: {  	s5 =	sadd.s32 $0x200, s7;
	s7 =	smax.u32 s8, $0x1;
	s8 =	simm.s32 $0x2  }
.LBB2_1:
0xb: {  	[tilespmem:s2], [sflag:$0x2] =	stream.linear.gather [hbm4b:s5+s2], $0xC800, $0x38;
	[tilespmem:$0x19280] =	vst v63  }
0xc: {  	_ =	swait.ge [sflag:s8], $0xC800  }
0xd: {  	[sflag:s8] =	ssyncset.done $0x0  }
0xe: {  	[sflag:s8] =	ssyncadd.s32 $0xFFFF3800  }
0xf: {  	[tilespmem:s9], [sflag:$0x2] =	stream.linear.gather [hbm4b:s4+s2], $0x80, $0x38;
	[tilespmem:$0x19280] =	vst v63  }
0x10: {  	_ =	swait.ge [sflag:s8], $0x80  }
0x11: {  	[sflag:s8] =	ssyncset.done $0x0  }
0x12: {  	s14 =	simm.s32 $0x0;
	s15 =	simm.s32 $0xC800;
	[sflag:s8] =	ssyncadd.s32 $0xFFFFFF80  }
0x13: {  	[tilespmem:s15], [sflag:$0x1] =	stream.indirect.gather [hbm4b:s3+s10], $0x1, s14, s10, $0xb8;
	[tilespmem:$0x19280] =	vst v63  }
0x14: {  	s17 =	simm.s32 $0xC880;
	s18 =	simm.s32 $0x80  }
0x15: {  	[tilespmem:s17], [sflag:$0x1] =	stream.indirect.gather [hbm4b:s3+s10], $0x1, s18, s10, $0xb8;
	[tilespmem:$0x19280] =	vst v63  }
0x16: {  	s19 =	simm.s32 $0xC900;
	s20 =	simm.s32 $0x100  }
0x17: {  	[tilespmem:s19], [sflag:$0x1] =	stream.indirect.gather [hbm4b:s3+s10], $0x1, s20, s10, $0xb8;
	[tilespmem:$0x19280] =	vst v63  }
0x18: {  	s21 =	simm.s32 $0xC980;
	s22 =	simm.s32 $0x180  }
0x19: {  	[tilespmem:s21], [sflag:$0x1] =	stream.indirect.gather [hbm4b:s3+s10], $0x1, s22, s10, $0xb8;
	[tilespmem:$0x19280] =	vst v63  }
0x1a: {  	s23 =	simm.s32 $0xCA00;
	s24 =	simm.s32 $0x200  }
0x1b: {  	[tilespmem:s23], [sflag:$0x1] =	stream.indirect.gather [hbm4b:s3+s10], $0x1, s24, s10, $0xb8;
	[tilespmem:$0x19280] =	vst v63  }
0x1c: {  	s25 =	simm.s32 $0xCA80;
	s26 =	simm.s32 $0x280  }
0x1d: {  	[tilespmem:s25], [sflag:$0x1] =	stream.indirect.gather [hbm4b:s3+s10], $0x1, s26, s10, $0xb8;
	[tilespmem:$0x19280] =	vst v63  }
0x1e: {  	s28 =	simm.s32 $0xCB00;
	s29 =	simm.s32 $0x300  }
0x1f: {  	[tilespmem:s28], [sflag:$0x1] =	stream.indirect.gather [hbm4b:s3+s10], $0x1, s29, s10, $0xb8;
	[tilespmem:$0x19280] =	vst v63  }
0x20: {  	s30 =	simm.s32 $0xCB80;
	s31 =	simm.s32 $0x380  }
0x21: {  	[tilespmem:s30], [sflag:$0x1] =	stream.indirect.gather [hbm4b:s3+s10], $0x1, s31, s10, $0xb8;
	[tilespmem:$0x19280] =	vst v63  }
0x22: {  	s16 =	simm.s32 $0x400;
	s15 =	simm.s32 $0xCC00  }
0x23: {  	[tilespmem:s15], [sflag:$0x1] =	stream.indirect.gather [hbm4b:s3+s10], $0x1, s16, s10, $0xb8;
	[tilespmem:$0x19280] =	vst v63  }
0x24: {  	s17 =	simm.s32 $0xCC80;
	s18 =	simm.s32 $0x480  }
0x25: {  	[tilespmem:s17], [sflag:$0x1] =	stream.indirect.gather [hbm4b:s3+s10], $0x1, s18, s10, $0xb8;
	[tilespmem:$0x19280] =	vst v63  }
0x26: {  	s19 =	simm.s32 $0xCD00;
	s20 =	simm.s32 $0x500  }
0x27: {  	[tilespmem:s19], [sflag:$0x1] =	stream.indirect.gather [hbm4b:s3+s10], $0x1, s20, s10, $0xb8;
	[tilespmem:$0x19280] =	vst v63  }
0x28: {  	s21 =	simm.s32 $0xCD80;
	s22 =	simm.s32 $0x580  }
0x29: {  	[tilespmem:s21], [sflag:$0x1] =	stream.indirect.gather [hbm4b:s3+s10], $0x1, s22, s10, $0xb8;
	[tilespmem:$0x19280] =	vst v63  }
0x2a: {  	s23 =	simm.s32 $0xCE00;
	s24 =	simm.s32 $0x600  }
0x2b: {  	[tilespmem:s23], [sflag:$0x1] =	stream.indirect.gather [hbm4b:s3+s10], $0x1, s24, s10, $0xb8;
	[tilespmem:$0x19280] =	vst v63  }
0x2c: {  	s25 =	simm.s32 $0xCE80;
	s26 =	simm.s32 $0x680  }
0x2d: {  	[tilespmem:s25], [sflag:$0x1] =	stream.indirect.gather [hbm4b:s3+s10], $0x1, s26, s10, $0xb8;
	[tilespmem:$0x19280] =	vst v63  }
0x2e: {  	s28 =	simm.s32 $0xCF00;
	s29 =	simm.s32 $0x700  }
0x2f: {  	[tilespmem:s28], [sflag:$0x1] =	stream.indirect.gather [hbm4b:s3+s10], $0x1, s29, s10, $0xb8;
	[tilespmem:$0x19280] =	vst v63  }
0x30: {  	s30 =	simm.s32 $0xCF80;
	s31 =	simm.s32 $0x780  }
0x31: {  	[tilespmem:s30], [sflag:$0x1] =	stream.indirect.gather [hbm4b:s3+s10], $0x1, s31, s10, $0xb8;
	[tilespmem:$0x19280] =	vst v63  }
0x32: {  	_ =	swait.ge [sflag:s11], $0x80  }
0x33: {  	[sflag:s11] =	ssyncset.done $0x0  }
0x34: {  	[sflag:s11] =	ssyncadd.s32 $0xFFFFFF80  }
0x35: {  	_ =	swait.ge [sflag:s11], $0x80  }
0x36: {  	[sflag:s11] =	ssyncset.done $0x0  }
0x37: {  	[sflag:s11] =	ssyncadd.s32 $0xFFFFFF80  }
0x38: {  	_ =	swait.ge [sflag:s11], $0x80  }
0x39: {  	[sflag:s11] =	ssyncset.done $0x0  }
0x3a: {  	[sflag:s11] =	ssyncadd.s32 $0xFFFFFF80  }
0x3b: {  	_ =	swait.ge [sflag:s11], $0x80  }
0x3c: {  	[sflag:s11] =	ssyncset.done $0x0  }
0x3d: {  	[sflag:s11] =	ssyncadd.s32 $0xFFFFFF80  }
0x3e: {  	_ =	swait.ge [sflag:s11], $0x80  }
0x3f: {  	[sflag:s11] =	ssyncset.done $0x0  }
0x40: {  	[sflag:s11] =	ssyncadd.s32 $0xFFFFFF80  }
0x41: {  	_ =	swait.ge [sflag:s11], $0x80  }
0x42: {  	[sflag:s11] =	ssyncset.done $0x0  }
0x43: {  	[sflag:s11] =	ssyncadd.s32 $0xFFFFFF80  }
0x44: {  	_ =	swait.ge [sflag:s11], $0x80  }
0x45: {  	[sflag:s11] =	ssyncset.done $0x0  }
0x46: {  	[sflag:s11] =	ssyncadd.s32 $0xFFFFFF80  }
0x47: {  	_ =	swait.ge [sflag:s11], $0x80  }
0x48: {  	[sflag:s11] =	ssyncset.done $0x0  }
0x49: {  	[sflag:s11] =	ssyncadd.s32 $0xFFFFFF80  }
0x4a: {  	_ =	swait.ge [sflag:s11], $0x80  }
0x4b: {  	[sflag:s11] =	ssyncset.done $0x0  }
0x4c: {  	[sflag:s11] =	ssyncadd.s32 $0xFFFFFF80  }
0x4d: {  	_ =	swait.ge [sflag:s11], $0x80  }
0x4e: {  	[sflag:s11] =	ssyncset.done $0x0  }
0x4f: {  	[sflag:s11] =	ssyncadd.s32 $0xFFFFFF80  }
0x50: {  	_ =	swait.ge [sflag:s11], $0x80  }
0x51: {  	[sflag:s11] =	ssyncset.done $0x0  }
0x52: {  	[sflag:s11] =	ssyncadd.s32 $0xFFFFFF80  }
0x53: {  	_ =	swait.ge [sflag:s11], $0x80  }
0x54: {  	[sflag:s11] =	ssyncset.done $0x0  }
0x55: {  	[sflag:s11] =	ssyncadd.s32 $0xFFFFFF80  }
0x56: {  	_ =	swait.ge [sflag:s11], $0x80  }
0x57: {  	[sflag:s11] =	ssyncset.done $0x0  }
0x58: {  	[sflag:s11] =	ssyncadd.s32 $0xFFFFFF80  }
0x59: {  	_ =	swait.ge [sflag:s11], $0x80  }
0x5a: {  	[sflag:s11] =	ssyncset.done $0x0  }
0x5b: {  	[sflag:s11] =	ssyncadd.s32 $0xFFFFFF80  }
0x5c: {  	_ =	swait.ge [sflag:s11], $0x80  }
0x5d: {  	[sflag:s11] =	ssyncset.done $0x0  }
0x5e: {  	[sflag:s11] =	ssyncadd.s32 $0xFFFFFF80  }
0x5f: {  	_ =	swait.ge [sflag:s11], $0x80  }
0x60: {  	s16 =	simm.s32 $0x800;
	s17 =	simm.s32 $0x4000;
	[sflag:s11] =	ssyncset.done $0x0  }
.LBB2_2:
0x61: {  	s18 =	sadd.s32 $0xC800, s16  }
0x62: {  	[sflag:s11] =	ssyncadd.s32 $0xFFFFFF80;
	s15 =	smov.u32 s17;
	s14 =	sadd.s32 $0x2000, s17  }
0x63: {  	[tilespmem:s18], [sflag:$0x1] =	stream.indirect.gather [hbm4b:s3+s10], $0x1, s16, s10, $0xb8;
	[tilespmem:$0x19280] =	vst v63  }
0x64: {  	p0 =	sne.s32 s17, $0x30000;
	s17 =	sadd.s32 $0xC880, s16;
	s18 =	sadd.s32 $0x80, s16  }
0x65: {  	[tilespmem:s17], [sflag:$0x1] =	stream.indirect.gather [hbm4b:s3+s10], $0x1, s18, s10, $0xb8;
	[tilespmem:$0x19280] =	vst v63  }
0x66: {  	s17 =	sadd.s32 $0xC900, s16;
	s18 =	sadd.s32 $0x100, s16  }
0x67: {  	[tilespmem:s17], [sflag:$0x1] =	stream.indirect.gather [hbm4b:s3+s10], $0x1, s18, s10, $0xb8;
	[tilespmem:$0x19280] =	vst v63  }
0x68: {  	s17 =	sadd.s32 $0xC980, s16;
	s18 =	sadd.s32 $0x180, s16  }
0x69: {  	[tilespmem:s17], [sflag:$0x1] =	stream.indirect.gather [hbm4b:s3+s10], $0x1, s18, s10, $0xb8;
	[tilespmem:$0x19280] =	vst v63  }
0x6a: {  	s17 =	sadd.s32 $0xCA00, s16;
	s18 =	sadd.s32 $0x200, s16  }
0x6b: {  	[tilespmem:s17], [sflag:$0x1] =	stream.indirect.gather [hbm4b:s3+s10], $0x1, s18, s10, $0xb8;
	[tilespmem:$0x19280] =	vst v63  }
0x6c: {  	s17 =	sadd.s32 $0xCA80, s16;
	s18 =	sadd.s32 $0x280, s16  }
0x6d: {  	[tilespmem:s17], [sflag:$0x1] =	stream.indirect.gather [hbm4b:s3+s10], $0x1, s18, s10, $0xb8;
	[tilespmem:$0x19280] =	vst v63  }
0x6e: {  	s17 =	sadd.s32 $0xCB00, s16;
	s18 =	sadd.s32 $0x300, s16  }
0x6f: {  	[tilespmem:s17], [sflag:$0x1] =	stream.indirect.gather [hbm4b:s3+s10], $0x1, s18, s10, $0xb8;
	[tilespmem:$0x19280] =	vst v63  }
0x70: {  	s17 =	sadd.s32 $0xCB80, s16;
	s18 =	sadd.s32 $0x380, s16  }
0x71: {  	[tilespmem:s17], [sflag:$0x1] =	stream.indirect.gather [hbm4b:s3+s10], $0x1, s18, s10, $0xb8;
	[tilespmem:$0x19280] =	vst v63  }
0x72: {  	s17 =	sadd.s32 $0xCC00, s16;
	s18 =	sadd.s32 $0x400, s16  }
0x73: {  	[tilespmem:s17], [sflag:$0x1] =	stream.indirect.gather [hbm4b:s3+s10], $0x1, s18, s10, $0xb8;
	[tilespmem:$0x19280] =	vst v63  }
0x74: {  	s17 =	sadd.s32 $0xCC80, s16;
	s18 =	sadd.s32 $0x480, s16  }
0x75: {  	[tilespmem:s17], [sflag:$0x1] =	stream.indirect.gather [hbm4b:s3+s10], $0x1, s18, s10, $0xb8;
	[tilespmem:$0x19280] =	vst v63  }
0x76: {  	s17 =	sadd.s32 $0xCD00, s16;
	s18 =	sadd.s32 $0x500, s16  }
0x77: {  	[tilespmem:s17], [sflag:$0x1] =	stream.indirect.gather [hbm4b:s3+s10], $0x1, s18, s10, $0xb8;
	[tilespmem:$0x19280] =	vst v63  }
0x78: {  	s17 =	sadd.s32 $0xCD80, s16;
	s18 =	sadd.s32 $0x580, s16  }
0x79: {  	[tilespmem:s17], [sflag:$0x1] =	stream.indirect.gather [hbm4b:s3+s10], $0x1, s18, s10, $0xb8;
	[tilespmem:$0x19280] =	vst v63  }
0x7a: {  	s17 =	sadd.s32 $0xCE00, s16;
	s18 =	sadd.s32 $0x600, s16  }
0x7b: {  	[tilespmem:s17], [sflag:$0x1] =	stream.indirect.gather [hbm4b:s3+s10], $0x1, s18, s10, $0xb8;
	[tilespmem:$0x19280] =	vst v63  }
0x7c: {  	s17 =	sadd.s32 $0xCE80, s16;
	s18 =	sadd.s32 $0x680, s16  }
0x7d: {  	[tilespmem:s17], [sflag:$0x1] =	stream.indirect.gather [hbm4b:s3+s10], $0x1, s18, s10, $0xb8;
	[tilespmem:$0x19280] =	vst v63  }
0x7e: {  	s17 =	sadd.s32 $0xCF00, s16;
	s18 =	sadd.s32 $0x700, s16  }
0x7f: {  	[tilespmem:s17], [sflag:$0x1] =	stream.indirect.gather [hbm4b:s3+s10], $0x1, s18, s10, $0xb8;
	[tilespmem:$0x19280] =	vst v63  }
0x80: {  	s17 =	sadd.s32 $0xCF80, s16;
	s16 =	sadd.s32 $0x780, s16  }
0x81: {  	[tilespmem:s17], [sflag:$0x1] =	stream.indirect.gather [hbm4b:s3+s10], $0x1, s16, s10, $0xb8;
	[tilespmem:$0x19280] =	vst v63  }
0x82: {  	_ =	swait.ge [sflag:s11], $0x80  }
0x83: {  	[sflag:s11] =	ssyncset.done $0x0  }
0x84: {  	[sflag:s11] =	ssyncadd.s32 $0xFFFFFF80  }
0x85: {  	_ =	swait.ge [sflag:s11], $0x80  }
0x86: {  	[sflag:s11] =	ssyncset.done $0x0  }
0x87: {  	[sflag:s11] =	ssyncadd.s32 $0xFFFFFF80  }
0x88: {  	_ =	swait.ge [sflag:s11], $0x80  }
0x89: {  	[sflag:s11] =	ssyncset.done $0x0  }
0x8a: {  	[sflag:s11] =	ssyncadd.s32 $0xFFFFFF80  }
0x8b: {  	_ =	swait.ge [sflag:s11], $0x80  }
0x8c: {  	[sflag:s11] =	ssyncset.done $0x0  }
0x8d: {  	[sflag:s11] =	ssyncadd.s32 $0xFFFFFF80  }
0x8e: {  	_ =	swait.ge [sflag:s11], $0x80  }
0x8f: {  	[sflag:s11] =	ssyncset.done $0x0  }
0x90: {  	[sflag:s11] =	ssyncadd.s32 $0xFFFFFF80  }
0x91: {  	_ =	swait.ge [sflag:s11], $0x80  }
0x92: {  	[sflag:s11] =	ssyncset.done $0x0  }
0x93: {  	[sflag:s11] =	ssyncadd.s32 $0xFFFFFF80  }
0x94: {  	_ =	swait.ge [sflag:s11], $0x80  }
0x95: {  	[sflag:s11] =	ssyncset.done $0x0  }
0x96: {  	[sflag:s11] =	ssyncadd.s32 $0xFFFFFF80  }
0x97: {  	_ =	swait.ge [sflag:s11], $0x80  }
0x98: {  	[sflag:s11] =	ssyncset.done $0x0  }
0x99: {  	[sflag:s11] =	ssyncadd.s32 $0xFFFFFF80  }
0x9a: {  	_ =	swait.ge [sflag:s11], $0x80  }
0x9b: {  	[sflag:s11] =	ssyncset.done $0x0  }
0x9c: {  	[sflag:s11] =	ssyncadd.s32 $0xFFFFFF80  }
0x9d: {  	_ =	swait.ge [sflag:s11], $0x80  }
0x9e: {  	[sflag:s11] =	ssyncset.done $0x0  }
0x9f: {  	[sflag:s11] =	ssyncadd.s32 $0xFFFFFF80  }
0xa0: {  	_ =	swait.ge [sflag:s11], $0x80  }
0xa1: {  	[sflag:s11] =	ssyncset.done $0x0  }
0xa2: {  	[sflag:s11] =	ssyncadd.s32 $0xFFFFFF80  }
0xa3: {  	_ =	swait.ge [sflag:s11], $0x80  }
0xa4: {  	[sflag:s11] =	ssyncset.done $0x0  }
0xa5: {  	[sflag:s11] =	ssyncadd.s32 $0xFFFFFF80  }
0xa6: {  	_ =	swait.ge [sflag:s11], $0x80  }
0xa7: {  	[sflag:s11] =	ssyncset.done $0x0  }
0xa8: {  	[sflag:s11] =	ssyncadd.s32 $0xFFFFFF80  }
0xa9: {  	_ =	swait.ge [sflag:s11], $0x80  }
0xaa: {  	[sflag:s11] =	ssyncset.done $0x0  }
0xab: {  	[sflag:s11] =	ssyncadd.s32 $0xFFFFFF80  }
.Ltmp0:
0xac: {  	_ =	swait.ge [sflag:s11], $0x80;
	(pc) =	sbr.rel @p0 .LBB2_2-.Ltmp0, $4  }
0xad: {  	[sflag:s11] =	ssyncset.done $0x0  }
0xae: {  	[sflag:s11] =	ssyncadd.s32 $0xFFFFFF80  }
0xaf: {  	_ =	swait.ge [sflag:s11], $0x80  }
0xb0: {  	s16 =	sshra.s32 s15, $0x2;
	s17 =	smov.u32 s14;
	[sflag:s11] =	ssyncset.done $0x0  }
0xb1: {  	s14 =	sadd.s32 $0xC800, s16;
	[sflag:s11] =	ssyncadd.s32 $0xFFFFFF80  }
0xb2: {  	[tilespmem:s14], [sflag:$0x1] =	stream.indirect.gather [hbm4b:s3+s10], $0x1, s16, s10, $0xb8;
	[tilespmem:$0x19280] =	vst v63  }
0xb3: {  	s31 =	sadd.s32 $0xC880, s16;
	s15 =	sadd.s32 $0x80, s16  }
0xb4: {  	[tilespmem:s31], [sflag:$0x1] =	stream.indirect.gather [hbm4b:s3+s10], $0x1, s15, s10, $0xb8;
	[tilespmem:$0x19280] =	vst v63  }
0xb5: {  	s17 =	sadd.s32 $0xC900, s16;
	s18 =	sadd.s32 $0x100, s16  }
0xb6: {  	[tilespmem:s17], [sflag:$0x1] =	stream.indirect.gather [hbm4b:s3+s10], $0x1, s18, s10, $0xb8;
	[tilespmem:$0x19280] =	vst v63  }
0xb7: {  	s19 =	sadd.s32 $0xC980, s16;
	s20 =	sadd.s32 $0x180, s16  }
0xb8: {  	[tilespmem:s19], [sflag:$0x1] =	stream.indirect.gather [hbm4b:s3+s10], $0x1, s20, s10, $0xb8;
	[tilespmem:$0x19280] =	vst v63  }
0xb9: {  	s21 =	sadd.s32 $0xCA00, s16;
	s22 =	sadd.s32 $0x200, s16  }
0xba: {  	[tilespmem:s21], [sflag:$0x1] =	stream.indirect.gather [hbm4b:s3+s10], $0x1, s22, s10, $0xb8;
	[tilespmem:$0x19280] =	vst v63  }
0xbb: {  	s23 =	sadd.s32 $0xCA80, s16;
	s24 =	sadd.s32 $0x280, s16  }
0xbc: {  	[tilespmem:s23], [sflag:$0x1] =	stream.indirect.gather [hbm4b:s3+s10], $0x1, s24, s10, $0xb8;
	[tilespmem:$0x19280] =	vst v63  }
0xbd: {  	s25 =	sadd.s32 $0xCB00, s16;
	s26 =	sadd.s32 $0x300, s16  }
0xbe: {  	[tilespmem:s25], [sflag:$0x1] =	stream.indirect.gather [hbm4b:s3+s10], $0x1, s26, s10, $0xb8;
	[tilespmem:$0x19280] =	vst v63  }
0xbf: {  	s28 =	sadd.s32 $0xCB80, s16;
	s29 =	sadd.s32 $0x380, s16  }
0xc0: {  	[tilespmem:s28], [sflag:$0x1] =	stream.indirect.gather [hbm4b:s3+s10], $0x1, s29, s10, $0xb8;
	[tilespmem:$0x19280] =	vst v63  }
0xc1: {  	s30 =	sadd.s32 $0xCC00, s16;
	s31 =	sadd.s32 $0x400, s16  }
0xc2: {  	[tilespmem:s30], [sflag:$0x1] =	stream.indirect.gather [hbm4b:s3+s10], $0x1, s31, s10, $0xb8;
	[tilespmem:$0x19280] =	vst v63  }
0xc3: {  	s17 =	sadd.s32 $0xCC80, s16;
	s18 =	sadd.s32 $0x480, s16  }
0xc4: {  	[tilespmem:s17], [sflag:$0x1] =	stream.indirect.gather [hbm4b:s3+s10], $0x1, s18, s10, $0xb8;
	[tilespmem:$0x19280] =	vst v63  }
0xc5: {  	s19 =	sadd.s32 $0xCD00, s16;
	s20 =	sadd.s32 $0x500, s16  }
0xc6: {  	[tilespmem:s19], [sflag:$0x1] =	stream.indirect.gather [hbm4b:s3+s10], $0x1, s20, s10, $0xb8;
	[tilespmem:$0x19280] =	vst v63  }
0xc7: {  	s21 =	sadd.s32 $0xCD80, s16;
	s22 =	sadd.s32 $0x580, s16  }
0xc8: {  	[tilespmem:s21], [sflag:$0x1] =	stream.indirect.gather [hbm4b:s3+s10], $0x1, s22, s10, $0xb8;
	[tilespmem:$0x19280] =	vst v63  }
0xc9: {  	s23 =	sadd.s32 $0xCE00, s16;
	s24 =	sadd.s32 $0x600, s16  }
0xca: {  	[tilespmem:s23], [sflag:$0x1] =	stream.indirect.gather [hbm4b:s3+s10], $0x1, s24, s10, $0xb8;
	[tilespmem:$0x19280] =	vst v63  }
0xcb: {  	s25 =	sadd.s32 $0xCE80, s16;
	s26 =	sadd.s32 $0x680, s16  }
0xcc: {  	[tilespmem:s25], [sflag:$0x1] =	stream.indirect.gather [hbm4b:s3+s10], $0x1, s26, s10, $0xb8;
	[tilespmem:$0x19280] =	vst v63  }
0xcd: {  	s28 =	sadd.s32 $0xCF00, s16;
	s29 =	sadd.s32 $0x700, s16  }
0xce: {  	[tilespmem:s28], [sflag:$0x1] =	stream.indirect.gather [hbm4b:s3+s10], $0x1, s29, s10, $0xb8;
	[tilespmem:$0x19280] =	vst v63  }
0xcf: {  	s30 =	sadd.s32 $0xCF80, s16;
	s31 =	sadd.s32 $0x780, s16  }
0xd0: {  	[tilespmem:s30], [sflag:$0x1] =	stream.indirect.gather [hbm4b:s3+s10], $0x1, s31, s10, $0xb8;
	[tilespmem:$0x19280] =	vst v63  }
0xd1: {  	_ =	swait.ge [sflag:s11], $0x80  }
0xd2: {  	[sflag:s11] =	ssyncset.done $0x0  }
0xd3: {  	[sflag:s11] =	ssyncadd.s32 $0xFFFFFF80  }
0xd4: {  	_ =	swait.ge [sflag:s11], $0x80  }
0xd5: {  	[sflag:s11] =	ssyncset.done $0x0  }
0xd6: {  	[sflag:s11] =	ssyncadd.s32 $0xFFFFFF80  }
0xd7: {  	_ =	swait.ge [sflag:s11], $0x80  }
0xd8: {  	[sflag:s11] =	ssyncset.done $0x0  }
0xd9: {  	[sflag:s11] =	ssyncadd.s32 $0xFFFFFF80  }
0xda: {  	_ =	swait.ge [sflag:s11], $0x80  }
0xdb: {  	[sflag:s11] =	ssyncset.done $0x0  }
0xdc: {  	[sflag:s11] =	ssyncadd.s32 $0xFFFFFF80  }
0xdd: {  	_ =	swait.ge [sflag:s11], $0x80  }
0xde: {  	[sflag:s11] =	ssyncset.done $0x0  }
0xdf: {  	[sflag:s11] =	ssyncadd.s32 $0xFFFFFF80  }
0xe0: {  	_ =	swait.ge [sflag:s11], $0x80  }
0xe1: {  	[sflag:s11] =	ssyncset.done $0x0  }
0xe2: {  	[sflag:s11] =	ssyncadd.s32 $0xFFFFFF80  }
0xe3: {  	_ =	swait.ge [sflag:s11], $0x80  }
0xe4: {  	[sflag:s11] =	ssyncset.done $0x0  }
0xe5: {  	[sflag:s11] =	ssyncadd.s32 $0xFFFFFF80  }
0xe6: {  	_ =	swait.ge [sflag:s11], $0x80  }
0xe7: {  	[sflag:s11] =	ssyncset.done $0x0  }
0xe8: {  	[sflag:s11] =	ssyncadd.s32 $0xFFFFFF80  }
0xe9: {  	_ =	swait.ge [sflag:s11], $0x80  }
0xea: {  	[sflag:s11] =	ssyncset.done $0x0  }
0xeb: {  	[sflag:s11] =	ssyncadd.s32 $0xFFFFFF80  }
0xec: {  	_ =	swait.ge [sflag:s11], $0x80  }
0xed: {  	[sflag:s11] =	ssyncset.done $0x0  }
0xee: {  	[sflag:s11] =	ssyncadd.s32 $0xFFFFFF80  }
0xef: {  	_ =	swait.ge [sflag:s11], $0x80  }
0xf0: {  	[sflag:s11] =	ssyncset.done $0x0  }
0xf1: {  	[sflag:s11] =	ssyncadd.s32 $0xFFFFFF80  }
0xf2: {  	_ =	swait.ge [sflag:s11], $0x80  }
0xf3: {  	[sflag:s11] =	ssyncset.done $0x0  }
0xf4: {  	[sflag:s11] =	ssyncadd.s32 $0xFFFFFF80  }
0xf5: {  	_ =	swait.ge [sflag:s11], $0x80  }
0xf6: {  	[sflag:s11] =	ssyncset.done $0x0  }
0xf7: {  	[sflag:s11] =	ssyncadd.s32 $0xFFFFFF80  }
0xf8: {  	_ =	swait.ge [sflag:s11], $0x80  }
0xf9: {  	[sflag:s11] =	ssyncset.done $0x0  }
0xfa: {  	[sflag:s11] =	ssyncadd.s32 $0xFFFFFF80  }
0xfb: {  	_ =	swait.ge [sflag:s11], $0x80  }
0xfc: {  	[sflag:s11] =	ssyncset.done $0x0  }
0xfd: {  	[sflag:s11] =	ssyncadd.s32 $0xFFFFFF80  }
0xfe: {  	_ =	swait.ge [sflag:s11], $0x80  }
0xff: {  	s14 =	simm.s32 $0x0;
	[sflag:s11] =	ssyncset.done $0x0  }
0x100: {  	s15 =	simm.s32 $0x0;
	s16 =	simm.s32 $0x0;
	[sflag:s11] =	ssyncadd.s32 $0xFFFFFF80  }
.LBB2_4:
0x101: {  	s17 =	sshll.u32 s15, $0x2;
	s18 =	sand.u32 $0x7, s14  }
0x102: {  	s17 =	sand.u32 $0xFFFFFE00, s17;
	s18 =	sshll.u32 s18, $0x6  }
0x103: {  	s17 =	sor.u32 s18, s17  }
0x104: {  	s17 =	sshrl.u32 s17, $0x2  }
0x105: {  	s31 =	sadd.s32 $0xC800, s17  }
0x106: {  	p0 =	por $0x1, $0x1;
	v1 =	vmov s31  }
.Ltmp1:
0x107: {  	_ = 	snop;
	(pc) =	sbr.rel @!p0 .LBB2_6-.Ltmp1, $3  }
0x108: {  	_ =	sdelay $0x1  }
0x109: {  	v0 =	vld [tilespmem:$0x19000];
	s19 =	simm.s32 $0x0  }
0x10a: {  	s18 =	simm.s32 $0x800;
	s17 =	sadd.s32 $0x12C00, s17;
	v2 =	vld.idx.msk [tilespmem:v1+s19+$0x0 ss:$0x1], $0xffff  }
.LBB2_5:
0x10b: {  	p0 =	sne.s32 s18, $0x18800  }
.Ltmp2:
0x10c: {  	_ = 	snop;
	(pc) =	sbr.rel @p0 .LBB2_5-.Ltmp2, $4  }
0x10d: {  	_ = 	snop  }
0x10e: {  	s19 =	sshra.s32 s18, $0x2;
	s18 =	sadd.s32 $0x800, s18  }
0x10f: {  	v3 =	vshll.u32 v2, $0x10;
	v2 =	vld.idx.msk [tilespmem:v1+s19+$0x0 ss:$0x1], $0xffff  }
0x110: {  	v0 =	vadd.f32 v3, v0  }
.LBB2_6:
0x111: {  	v1 =	vmov s17;
	_ =	sdelay $0x3  }
0x112: {  	s18 =	simm.s32 $0x0;
	v2 =	vshll.u32 v2, $0x10  }
0x113: {  	s17 =	simm.s32 $0x800;
	v0 =	vadd.f32 v2, v0;
	v2 =	vld.idx.msk [tilespmem:v1+s18+$0x0 ss:$0x1], $0xffff  }
.LBB2_7:
0x114: {  	p0 =	sne.s32 s17, $0x18800  }
.Ltmp3:
0x115: {  	_ = 	snop;
	(pc) =	sbr.rel @p0 .LBB2_7-.Ltmp3, $4  }
0x116: {  	_ = 	snop  }
0x117: {  	s18 =	sshra.s32 s17, $0x2;
	s17 =	sadd.s32 $0x800, s17  }
0x118: {  	v3 =	vand.u32 $0xFFFF0000, v2;
	v2 =	vld.idx.msk [tilespmem:v1+s18+$0x0 ss:$0x1], $0xffff  }
0x119: {  	v0 =	vadd.f32 v3, v0  }
0x11a: {  	_ =	sdelay $0x2  }
0x11b: {  	v1 =	vand.u32 $0xFFFF0000, v2  }
0x11c: {  	v0 =	vadd.f32 v1, v0;
	_ =	sdelay $0x1  }
0x11d: {  	v0 =	vsub.f32 $0.0e+00, v0;
	_ =	sdelay $0x1  }
0x11e: {  	v0 =	vmul.f32 $1.442695020e+00, v0;
	_ =	sdelay $0x1  }
0x11f: {  	(erf) = vpow2.f32 v0;
	_ =	sdelay $0x8  }
0x120: {  	v0 =	vpop (erf)  }
0x121: {  	v0 =	vadd.f32 $1.000000000e+00, v0;
	_ =	sdelay $0x1  }
0x122: {  	(erf) = vrcp.f32 v0;
	_ =	sdelay $0x3  }
0x123: {  	s17 =	sshll.u32 s16, $0x4;
	s16 =	sadd.s32 $0x1, s16  }
0x124: {  	p0 =	sne.s32 s16, $0x20  }
.Ltmp4:
0x125: {  	_ = 	snop;
	(pc) =	sbr.rel @p0 .LBB2_4-.Ltmp4, $3  }
0x126: {  	_ =	sdelay $0x1  }
0x127: {  	s17 =	sand.u32 $0x3FFFFFF0, s17;
	v0 =	vpop (erf)  }
0x128: {  	s15 =	sadd.s32 $0x10, s15;
	s14 =	sadd.s32 $0x1, s14;
	[tilespmem:s17+$0x19080] =	vst v0  }
0x129: {  	s13 =	sadd.s32 $0x1, s13  }
0x12a: {  	p0 =	sne.s32 s13, s7  }
.Ltmp5:
0x12b: {  	_ = 	snop;
	(pc) =	sbr.rel @p0 .LBB2_1-.Ltmp5, $4  }
0x12c: {  	[hbm4b:s6+s2] =	stream.linear.scatter [tilespmem:s12], [sflag:$0x2], $0x200, $0x38;
	[tilespmem:$0x19280] =	vst v63  }
0x12d: {  	_ =	swait.ge [sflag:s8], $0x200  }
0x12e: {  	[sflag:s8] =	ssyncset.done $0x0  }
0x12f: {  	[sflag:s8] =	ssyncadd.s32 $0xFFFFFE00  }
0x130: {  	_ =	sfence.sel $0x180000  }
0x131: {  	[bflag:$0x0] =	sbarrier.arrive $0xFFFF  }
0x132: {  	p0 =	sne.s32 s0, $0x0;
	_ =	strace $0x90000047  }
0x133: {  	s0 =	sadd.s32 @!p0 $0x100000, s1;
	[bflag:$0x2] =	sbarrier.arrive $0xFFFF  }
0x134: {  	[sflag:s0] =	ssyncadd.tile.s32 @!p0 $0x1;
	_ =	shalt  }
.Lfunc_end2:
_tile_overlayer_lowered:
.L_overlay_start_2:
0x135: {  	(tag) =	ssettag $0x2  }
0x136: {  	s0 =	rddreg [dreg:$0x0];
	s2 =	stileid.u32  }
0x137: {  	s1 =	rddreg [dreg:$0x1];
	p0 =	sne.s32 s2, $0x0  }
0x138: {  	s3 =	rddreg [dreg:$0x2];
	[bflag:$0x3] =	sbarrier.arrive $0xFFFF;
	s2 =	simm.s32 @!p0 $0x1C02  }
0x139: {  	[timem:s3], [sflag:s2] =	dma.local @!p0 [hbm:s0], s1  }
0x13a: {  	s0 =	simm.s32 @!p0 $0x2  }
0x13b: {  	_ =	swait.ge @!p0 [sflag:s0], s1  }
0x13c: {  	s1 =	ssub.s32 @!p0 $0x0, s1;
	[sflag:s0] =	ssyncset.done @!p0 $0x0  }
0x13d: {  	[sflag:s0] =	ssyncadd.s32 @!p0 s1  }
0x13e: {  	[bflag:$0x3] =	sbarrier.arrive $0xFFFF  }
0x13f: {  	_ =	shalt  }

</sc_bundles>
